<compile_context>
chip_gen: v7x
topology: tpu7x:2x2x1
jax: 0.10.2.dev20260603
libtpu: 0.0.44.dev20260713+nightly
codegen_flags: <defaults>
</compile_context>

<pallas_src>
import jax
import jax.numpy as jnp
from jax import lax
from jax.experimental import pallas as pl
from jax.experimental.pallas import tpu as pltpu
from jax.experimental.pallas import tpu_sc as plsc

_NC = 2
_NS = 16
_NW = _NC * _NS
_B = 4096
_BPW = _B // _NW
_L = 16


def _sc_body(idx_hbm, betas_hbm, go_hbm, tr_hbm, bp_hbm,
             betas_out, bp_out, go_out, tr_out,
             idx_v, betas_v, bp_v, go_v, tr_v, sem):
    wid = lax.axis_index("s") * _NC + lax.axis_index("c")
    base = wid * _BPW

    pltpu.sync_copy(idx_hbm.at[pl.ds(base, _BPW)], idx_v)

    def fetch(c, _):
        vec = idx_v[pl.ds(c * _L, _L)]
        for j in range(_L):
            i = c * _L + j
            r = vec[j]
            pltpu.async_copy(bp_hbm.at[pl.ds(r, 1)], bp_v.at[pl.ds(i, 1)],
                             sem)
            pltpu.async_copy(go_hbm.at[pl.ds(r, 1)], go_v.at[pl.ds(i, 1)],
                             sem)
            pltpu.async_copy(tr_hbm.at[pl.ds(r, 1)], tr_v.at[pl.ds(i, 1)],
                             sem)
            pltpu.async_copy(betas_hbm.at[pl.ds(0, 1)],
                             betas_v.at[pl.ds(i, 1)], sem)
        return ()

    lax.fori_loop(0, _BPW // _L, fetch, ())

    pltpu.make_async_copy(bp_hbm.at[pl.ds(0, _BPW)], bp_v, sem).wait()
    pltpu.make_async_copy(go_hbm.at[pl.ds(0, _BPW)], go_v, sem).wait()
    pltpu.make_async_copy(tr_hbm.at[pl.ds(0, _BPW)], tr_v, sem).wait()
    pltpu.make_async_copy(betas_hbm.at[pl.ds(0, _BPW)], betas_v, sem).wait()

    pltpu.sync_copy(bp_v, bp_out.at[pl.ds(base, _BPW)])
    pltpu.sync_copy(go_v, go_out.at[pl.ds(base, _BPW)])
    pltpu.sync_copy(tr_v, tr_out.at[pl.ds(base, _BPW)])
    pltpu.sync_copy(betas_v, betas_out.at[pl.ds(base, _BPW)])


def kernel(idx, betas_w, global_orient_w, transl_w, body_pose_w):
    idx32 = idx.astype(jnp.int32)
    f = pl.kernel(
        _sc_body,
        out_type=(
            jax.ShapeDtypeStruct((_B, 10), jnp.float32),
            jax.ShapeDtypeStruct((_B, 69), jnp.float32),
            jax.ShapeDtypeStruct((_B, 3), jnp.float32),
            jax.ShapeDtypeStruct((_B, 3), jnp.float32),
        ),
        mesh=plsc.VectorSubcoreMesh(core_axis_name="c", subcore_axis_name="s"),
        scratch_types=[
            pltpu.VMEM((_BPW,), jnp.int32),
            pltpu.VMEM((_BPW, 10), jnp.float32),
            pltpu.VMEM((_BPW, 69), jnp.float32),
            pltpu.VMEM((_BPW, 3), jnp.float32),
            pltpu.VMEM((_BPW, 3), jnp.float32),
            pltpu.SemaphoreType.DMA,
        ],
    )
    return f(idx32, betas_w, global_orient_w, transl_w, body_pose_w)

# --- scband reference (transcript-rebuilt; emitter-appended) ---
"""Pipeline reference for scband-smplparam-embedding-62569083568724 (READ-ONLY COPY).

The authoritative reference and input builder live on the scoring server;
editing this copy changes nothing except your own understanding.
"""

import jax, jax.numpy as jnp
import numpy as np

N_FRAMES = 100000
B = 4096

def setup_inputs(seed: int = 0) -> dict:
    key = jax.random.key(seed)
    k1, k2, k3, k4, k5 = jax.random.split(key, 5)
    idx = jax.random.randint(k1, (B,), 0, N_FRAMES, dtype=jnp.int64 if jax.config.jax_enable_x64 else jnp.int32)
    # SMPL params stored per frame: betas[N,10], global_orient[N,3], transl[N,3], body_pose[N,69]
    # (original torch code reshapes [N,1,D] -> [N,D] and wraps in nn.Embedding)
    betas_w = jax.random.normal(k2, (N_FRAMES, 10), dtype=jnp.float32) * 0.02
    global_orient_w = jax.random.normal(k3, (N_FRAMES, 3), dtype=jnp.float32) * 0.02
    transl_w = jax.random.normal(k4, (N_FRAMES, 3), dtype=jnp.float32) * 0.02
    body_pose_w = jax.random.normal(k5, (N_FRAMES, 69), dtype=jnp.float32) * 0.02
    return {"idx": idx, "betas_w": betas_w, "global_orient_w": global_orient_w, "transl_w": transl_w, "body_pose_w": body_pose_w}

def reference(idx, betas_w, global_orient_w, transl_w, body_pose_w):
    # forward: betas looked up at index 0 (shared shape params), others at idx
    zeros_idx = jnp.zeros_like(idx)
    betas = jnp.take(betas_w, zeros_idx, axis=0)
    body_pose = jnp.take(body_pose_w, idx, axis=0)
    global_orient = jnp.take(global_orient_w, idx, axis=0)
    transl = jnp.take(transl_w, idx, axis=0)
    return (betas, body_pose, global_orient, transl)

if __name__ == "__main__":
    import jax
    _d = setup_inputs()
    print(jax.jit(kernel)(*tuple(_d.values())))

</pallas_src>

<mosaic_0001>
#map = affine_map<(d0, d1) -> (0)>
#map1 = affine_map<(d0, d1) -> (0, 0)>
module attributes {stable_mosaic.version = 14 : i64} {
  func.func @_sc_body(%arg0: i32, %arg1: i32, %arg2: memref<4096xi32, #tpu.memory_space<hbm>>, %arg3: memref<100000x10xf32, #tpu.memory_space<hbm>>, %arg4: memref<100000x3xf32, #tpu.memory_space<hbm>>, %arg5: memref<100000x3xf32, #tpu.memory_space<hbm>>, %arg6: memref<100000x69xf32, #tpu.memory_space<hbm>>, %arg7: memref<4096x10xf32, #tpu.memory_space<hbm>>, %arg8: memref<4096x69xf32, #tpu.memory_space<hbm>>, %arg9: memref<4096x3xf32, #tpu.memory_space<hbm>>, %arg10: memref<4096x3xf32, #tpu.memory_space<hbm>>, %arg11: memref<128xi32, #tpu.memory_space<vmem>>, %arg12: memref<128x10xf32, #tpu.memory_space<vmem>>, %arg13: memref<128x69xf32, #tpu.memory_space<vmem>>, %arg14: memref<128x3xf32, #tpu.memory_space<vmem>>, %arg15: memref<128x3xf32, #tpu.memory_space<vmem>>, %arg16: memref<!tpu.dma_semaphore, #tpu.memory_space<semaphore_mem>>) attributes {dimension_semantics = [#tpu.dimension_semantics<core_parallel>, #tpu.dimension_semantics<subcore_parallel>], iteration_bounds = array<i64: 2, 16>, scalar_prefetch = 0 : i64, scratch_operands = 6 : i64, tpu.core_type = #tpu.core_type<sc_vector_subcore>, window_params = [{transform_indices = #map}, {transform_indices = #map1}, {transform_indices = #map1}, {transform_indices = #map1}, {transform_indices = #map1}, {transform_indices = #map1}, {transform_indices = #map1}, {transform_indices = #map1}, {transform_indices = #map1}]} {
    %mul3A = arith.constant 2 : i32
    %mul3A_0 = arith.muli %arg1, %mul3A : i32
    %add3A = arith.addi %mul3A_0, %arg0 : i32
    %mul3A_1 = arith.constant 128 : i32
    %mul3A_2 = arith.muli %add3A, %mul3A_1 : i32
    "tpu.region"() ({
      %run_scoped3A = tpu.sem_alloc : memref<!tpu.dma_semaphore, #tpu.memory_space<semaphore_mem>>
      %dma_start3A = tpu.memref_slice %arg2[%mul3A_2] : memref<4096xi32, #tpu.memory_space<hbm>> -> memref<128xi32, #tpu.memory_space<hbm>>
      %dma_start3A_30 = tpu.memref_slice %arg2[%mul3A_2] : memref<4096xi32, #tpu.memory_space<hbm>> -> memref<128xi32, #tpu.memory_space<hbm>>
      tpu.enqueue_dma source(%dma_start3A_30 : memref<128xi32, #tpu.memory_space<hbm>>) target(%arg11 : memref<128xi32, #tpu.memory_space<vmem>>) target_semaphore(%run_scoped3A : memref<!tpu.dma_semaphore, #tpu.memory_space<semaphore_mem>>)
      %dma_wait3A_31 = tpu.memref_slice %arg2[%mul3A_2] : memref<4096xi32, #tpu.memory_space<hbm>> -> memref<128xi32, #tpu.memory_space<hbm>>
      %dma_wait3A_32 = tpu.memref_slice %arg2[%mul3A_2] : memref<4096xi32, #tpu.memory_space<hbm>> -> memref<128xi32, #tpu.memory_space<hbm>>
      tpu.wait_dma2 semaphore(%run_scoped3A : memref<!tpu.dma_semaphore, #tpu.memory_space<semaphore_mem>>) src(%dma_wait3A_32 : memref<128xi32, #tpu.memory_space<hbm>>) dst(%arg11 : memref<128xi32, #tpu.memory_space<vmem>>)
      tpu.yield
    }) : () -> ()
    %scan3A = arith.constant 0 : i32
    %scan3A_3 = arith.constant 8 : i32
    %scan3A_4 = arith.addi %scan3A, %scan3A_3 : i32
    %scan3A_5 = arith.constant 1 : i32
    scf.for %scan3A_30 = %scan3A to %scan3A_4 step %scan3A_5  : i32 {
      %mul3A_31 = arith.constant 16 : i32
      %mul3A_32 = arith.muli %scan3A_30, %mul3A_31 : i32
      %get3A = arith.index_cast %mul3A_32 : i32 to index
      %get3A_33 = tpu.vector_load %arg11[%get3A] {strides = array<i32>} : memref<128xi32, #tpu.memory_space<vmem>>, vector<16xi32>,
      %get3A_34 = vector.shape_cast %get3A_33 : vector<16xi32> to vector<16xi32>
      %mul3A_35 = arith.constant 16 : i32
      %mul3A_36 = arith.muli %scan3A_30, %mul3A_35 : i32
      %add3A_37 = arith.constant 0 : i32
      %add3A_38 = arith.addi %mul3A_36, %add3A_37 : i32
      %slice3A = vector.extract_strided_slice %get3A_34 {offsets = [0], sizes = [1], strides = [1]} : vector<16xi32> to vector<1xi32>
      %squeeze3A = vector.extract %slice3A[0] : i32 from vector<1xi32>
      %dma_start3A = arith.constant 0 : i32
      %dma_start3A_39 = tpu.memref_slice %arg13[%add3A_38, %dma_start3A] : memref<128x69xf32, #tpu.memory_space<vmem>> -> memref<1x69xf32, #tpu.memory_space<vmem>>
      %dma_start3A_40 = arith.constant 0 : i32
      %dma_start3A_41 = tpu.memref_slice %arg6[%squeeze3A, %dma_start3A_40] : memref<100000x69xf32, #tpu.memory_space<hbm>> -> memref<1x69xf32, #tpu.memory_space<hbm>>
      %dma_start3A_42 = arith.constant 0 : i32
      %dma_start3A_43 = tpu.memref_slice %arg13[%add3A_38, %dma_start3A_42] : memref<128x69xf32, #tpu.memory_space<vmem>> -> memref<1x69xf32, #tpu.memory_space<vmem>>
      %dma_start3A_44 = arith.constant 0 : i32
      %dma_start3A_45 = tpu.memref_slice %arg6[%squeeze3A, %dma_start3A_44] : memref<100000x69xf32, #tpu.memory_space<hbm>> -> memref<1x69xf32, #tpu.memory_space<hbm>>
      tpu.enqueue_dma source(%dma_start3A_45 : memref<1x69xf32, #tpu.memory_space<hbm>>) target(%dma_start3A_43 : memref<1x69xf32, #tpu.memory_space<vmem>>) target_semaphore(%arg16 : memref<!tpu.dma_semaphore, #tpu.memory_space<semaphore_mem>>)
      %dma_start3A_46 = arith.constant 0 : i32
      %dma_start3A_47 = tpu.memref_slice %arg14[%add3A_38, %dma_start3A_46] : memref<128x3xf32, #tpu.memory_space<vmem>> -> memref<1x3xf32, #tpu.memory_space<vmem>>
      %dma_start3A_48 = arith.constant 0 : i32
      %dma_start3A_49 = tpu.memref_slice %arg4[%squeeze3A, %dma_start3A_48] : memref<100000x3xf32, #tpu.memory_space<hbm>> -> memref<1x3xf32, #tpu.memory_space<hbm>>
      %dma_start3A_50 = arith.constant 0 : i32
      %dma_start3A_51 = tpu.memref_slice %arg14[%add3A_38, %dma_start3A_50] : memref<128x3xf32, #tpu.memory_space<vmem>> -> memref<1x3xf32, #tpu.memory_space<vmem>>
      %dma_start3A_52 = arith.constant 0 : i32
      %dma_start3A_53 = tpu.memref_slice %arg4[%squeeze3A, %dma_start3A_52] : memref<100000x3xf32, #tpu.memory_space<hbm>> -> memref<1x3xf32, #tpu.memory_space<hbm>>
      tpu.enqueue_dma source(%dma_start3A_53 : memref<1x3xf32, #tpu.memory_space<hbm>>) target(%dma_start3A_51 : memref<1x3xf32, #tpu.memory_space<vmem>>) target_semaphore(%arg16 : memref<!tpu.dma_semaphore, #tpu.memory_space<semaphore_mem>>)
      %dma_start3A_54 = arith.constant 0 : i32
      %dma_start3A_55 = tpu.memref_slice %arg15[%add3A_38, %dma_start3A_54] : memref<128x3xf32, #tpu.memory_space<vmem>> -> memref<1x3xf32, #tpu.memory_space<vmem>>
      %dma_start3A_56 = arith.constant 0 : i32
      %dma_start3A_57 = tpu.memref_slice %arg5[%squeeze3A, %dma_start3A_56] : memref<100000x3xf32, #tpu.memory_space<hbm>> -> memref<1x3xf32, #tpu.memory_space<hbm>>
      %dma_start3A_58 = arith.constant 0 : i32
      %dma_start3A_59 = tpu.memref_slice %arg15[%add3A_38, %dma_start3A_58] : memref<128x3xf32, #tpu.memory_space<vmem>> -> memref<1x3xf32, #tpu.memory_space<vmem>>
      %dma_start3A_60 = arith.constant 0 : i32
      %dma_start3A_61 = tpu.memref_slice %arg5[%squeeze3A, %dma_start3A_60] : memref<100000x3xf32, #tpu.memory_space<hbm>> -> memref<1x3xf32, #tpu.memory_space<hbm>>
      tpu.enqueue_dma source(%dma_start3A_61 : memref<1x3xf32, #tpu.memory_space<hbm>>) target(%dma_start3A_59 : memref<1x3xf32, #tpu.memory_space<vmem>>) target_semaphore(%arg16 : memref<!tpu.dma_semaphore, #tpu.memory_space<semaphore_mem>>)
      %dma_start3A_62 = arith.constant 0 : i32
      %dma_start3A_63 = tpu.memref_slice %arg12[%add3A_38, %dma_start3A_62] : memref<128x10xf32, #tpu.memory_space<vmem>> -> memref<1x10xf32, #tpu.memory_space<vmem>>
      %dma_start3A_64 = arith.constant 0 : i32
      %dma_start3A_65 = arith.constant 0 : i32
      %dma_start3A_66 = tpu.memref_slice %arg3[%dma_start3A_64, %dma_start3A_65] : memref<100000x10xf32, #tpu.memory_space<hbm>> -> memref<1x10xf32, #tpu.memory_space<hbm>>
      %dma_start3A_67 = arith.constant 0 : i32
      %dma_start3A_68 = tpu.memref_slice %arg12[%add3A_38, %dma_start3A_67] : memref<128x10xf32, #tpu.memory_space<vmem>> -> memref<1x10xf32, #tpu.memory_space<vmem>>
      %dma_start3A_69 = arith.constant 0 : i32
      %dma_start3A_70 = arith.constant 0 : i32
      %dma_start3A_71 = tpu.memref_slice %arg3[%dma_start3A_69, %dma_start3A_70] : memref<100000x10xf32, #tpu.memory_space<hbm>> -> memref<1x10xf32, #tpu.memory_space<hbm>>
      tpu.enqueue_dma source(%dma_start3A_71 : memref<1x10xf32, #tpu.memory_space<hbm>>) target(%dma_start3A_68 : memref<1x10xf32, #tpu.memory_space<vmem>>) target_semaphore(%arg16 : memref<!tpu.dma_semaphore, #tpu.memory_space<semaphore_mem>>)
      %mul3A_72 = arith.constant 16 : i32
      %mul3A_73 = arith.muli %scan3A_30, %mul3A_72 : i32
      %add3A_74 = arith.constant 1 : i32
      %add3A_75 = arith.addi %mul3A_73, %add3A_74 : i32
      %slice3A_76 = vector.extract_strided_slice %get3A_34 {offsets = [1], sizes = [1], strides = [1]} : vector<16xi32> to vector<1xi32>
      %squeeze3A_77 = vector.extract %slice3A_76[0] : i32 from vector<1xi32>
      %dma_start3A_78 = arith.constant 0 : i32
      %dma_start3A_79 = tpu.memref_slice %arg13[%add3A_75, %dma_start3A_78] : memref<128x69xf32, #tpu.memory_space<vmem>> -> memref<1x69xf32, #tpu.memory_space<vmem>>
      %dma_start3A_80 = arith.constant 0 : i32
      %dma_start3A_81 = tpu.memref_slice %arg6[%squeeze3A_77, %dma_start3A_80] : memref<100000x69xf32, #tpu.memory_space<hbm>> -> memref<1x69xf32, #tpu.memory_space<hbm>>
      %dma_start3A_82 = arith.constant 0 : i32
      %dma_start3A_83 = tpu.memref_slice %arg13[%add3A_75, %dma_start3A_82] : memref<128x69xf32, #tpu.memory_space<vmem>> -> memref<1x69xf32, #tpu.memory_space<vmem>>
      %dma_start3A_84 = arith.constant 0 : i32
      %dma_start3A_85 = tpu.memref_slice %arg6[%squeeze3A_77, %dma_start3A_84] : memref<100000x69xf32, #tpu.memory_space<hbm>> -> memref<1x69xf32, #tpu.memory_space<hbm>>
      tpu.enqueue_dma source(%dma_start3A_85 : memref<1x69xf32, #tpu.memory_space<hbm>>) target(%dma_start3A_83 : memref<1x69xf32, #tpu.memory_space<vmem>>) target_semaphore(%arg16 : memref<!tpu.dma_semaphore, #tpu.memory_space<semaphore_mem>>)
      %dma_start3A_86 = arith.constant 0 : i32
      %dma_start3A_87 = tpu.memref_slice %arg14[%add3A_75, %dma_start3A_86] : memref<128x3xf32, #tpu.memory_space<vmem>> -> memref<1x3xf32, #tpu.memory_space<vmem>>
      %dma_start3A_88 = arith.constant 0 : i32
      %dma_start3A_89 = tpu.memref_slice %arg4[%squeeze3A_77, %dma_start3A_88] : memref<100000x3xf32, #tpu.memory_space<hbm>> -> memref<1x3xf32, #tpu.memory_space<hbm>>
      %dma_start3A_90 = arith.constant 0 : i32
      %dma_start3A_91 = tpu.memref_slice %arg14[%add3A_75, %dma_start3A_90] : memref<128x3xf32, #tpu.memory_space<vmem>> -> memref<1x3xf32, #tpu.memory_space<vmem>>
      %dma_start3A_92 = arith.constant 0 : i32
      %dma_start3A_93 = tpu.memref_slice %arg4[%squeeze3A_77, %dma_start3A_92] : memref<100000x3xf32, #tpu.memory_space<hbm>> -> memref<1x3xf32, #tpu.memory_space<hbm>>
      tpu.enqueue_dma source(%dma_start3A_93 : memref<1x3xf32, #tpu.memory_space<hbm>>) target(%dma_start3A_91 : memref<1x3xf32, #tpu.memory_space<vmem>>) target_semaphore(%arg16 : memref<!tpu.dma_semaphore, #tpu.memory_space<semaphore_mem>>)
      %dma_start3A_94 = arith.constant 0 : i32
      %dma_start3A_95 = tpu.memref_slice %arg15[%add3A_75, %dma_start3A_94] : memref<128x3xf32, #tpu.memory_space<vmem>> -> memref<1x3xf32, #tpu.memory_space<vmem>>
      %dma_start3A_96 = arith.constant 0 : i32
      %dma_start3A_97 = tpu.memref_slice %arg5[%squeeze3A_77, %dma_start3A_96] : memref<100000x3xf32, #tpu.memory_space<hbm>> -> memref<1x3xf32, #tpu.memory_space<hbm>>
      %dma_start3A_98 = arith.constant 0 : i32
      %dma_start3A_99 = tpu.memref_slice %arg15[%add3A_75, %dma_start3A_98] : memref<128x3xf32, #tpu.memory_space<vmem>> -> memref<1x3xf32, #tpu.memory_space<vmem>>
      %dma_start3A_100 = arith.constant 0 : i32
      %dma_start3A_101 = tpu.memref_slice %arg5[%squeeze3A_77, %dma_start3A_100] : memref<100000x3xf32, #tpu.memory_space<hbm>> -> memref<1x3xf32, #tpu.memory_space<hbm>>
      tpu.enqueue_dma source(%dma_start3A_101 : memref<1x3xf32, #tpu.memory_space<hbm>>) target(%dma_start3A_99 : memref<1x3xf32, #tpu.memory_space<vmem>>) target_semaphore(%arg16 : memref<!tpu.dma_semaphore, #tpu.memory_space<semaphore_mem>>)
      %dma_start3A_102 = arith.constant 0 : i32
      %dma_start3A_103 = tpu.memref_slice %arg12[%add3A_75, %dma_start3A_102] : memref<128x10xf32, #tpu.memory_space<vmem>> -> memref<1x10xf32, #tpu.memory_space<vmem>>
      %dma_start3A_104 = arith.constant 0 : i32
      %dma_start3A_105 = arith.constant 0 : i32
      %dma_start3A_106 = tpu.memref_slice %arg3[%dma_start3A_104, %dma_start3A_105] : memref<100000x10xf32, #tpu.memory_space<hbm>> -> memref<1x10xf32, #tpu.memory_space<hbm>>
      %dma_start3A_107 = arith.constant 0 : i32
      %dma_start3A_108 = tpu.memref_slice %arg12[%add3A_75, %dma_start3A_107] : memref<128x10xf32, #tpu.memory_space<vmem>> -> memref<1x10xf32, #tpu.memory_space<vmem>>
      %dma_start3A_109 = arith.constant 0 : i32
      %dma_start3A_110 = arith.constant 0 : i32
      %dma_start3A_111 = tpu.memref_slice %arg3[%dma_start3A_109, %dma_start3A_110] : memref<100000x10xf32, #tpu.memory_space<hbm>> -> memref<1x10xf32, #tpu.memory_space<hbm>>
      tpu.enqueue_dma source(%dma_start3A_111 : memref<1x10xf32, #tpu.memory_space<hbm>>) target(%dma_start3A_108 : memref<1x10xf32, #tpu.memory_space<vmem>>) target_semaphore(%arg16 : memref<!tpu.dma_semaphore, #tpu.memory_space<semaphore_mem>>)
      %mul3A_112 = arith.constant 16 : i32
      %mul3A_113 = arith.muli %scan3A_30, %mul3A_112 : i32
      %add3A_114 = arith.constant 2 : i32
      %add3A_115 = arith.addi %mul3A_113, %add3A_114 : i32
      %slice3A_116 = vector.extract_strided_slice %get3A_34 {offsets = [2], sizes = [1], strides = [1]} : vector<16xi32> to vector<1xi32>
      %squeeze3A_117 = vector.extract %slice3A_116[0] : i32 from vector<1xi32>
      %dma_start3A_118 = arith.constant 0 : i32
      %dma_start3A_119 = tpu.memref_slice %arg13[%add3A_115, %dma_start3A_118] : memref<128x69xf32, #tpu.memory_space<vmem>> -> memref<1x69xf32, #tpu.memory_space<vmem>>
      %dma_start3A_120 = arith.constant 0 : i32
      %dma_start3A_121 = tpu.memref_slice %arg6[%squeeze3A_117, %dma_start3A_120] : memref<100000x69xf32, #tpu.memory_space<hbm>> -> memref<1x69xf32, #tpu.memory_space<hbm>>
      %dma_start3A_122 = arith.constant 0 : i32
      %dma_start3A_123 = tpu.memref_slice %arg13[%add3A_115, %dma_start3A_122] : memref<128x69xf32, #tpu.memory_space<vmem>> -> memref<1x69xf32, #tpu.memory_space<vmem>>
      %dma_start3A_124 = arith.constant 0 : i32
      %dma_start3A_125 = tpu.memref_slice %arg6[%squeeze3A_117, %dma_start3A_124] : memref<100000x69xf32, #tpu.memory_space<hbm>> -> memref<1x69xf32, #tpu.memory_space<hbm>>
      tpu.enqueue_dma source(%dma_start3A_125 : memref<1x69xf32, #tpu.memory_space<hbm>>) target(%dma_start3A_123 : memref<1x69xf32, #tpu.memory_space<vmem>>) target_semaphore(%arg16 : memref<!tpu.dma_semaphore, #tpu.memory_space<semaphore_mem>>)
      %dma_start3A_126 = arith.constant 0 : i32
      %dma_start3A_127 = tpu.memref_slice %arg14[%add3A_115, %dma_start3A_126] : memref<128x3xf32, #tpu.memory_space<vmem>> -> memref<1x3xf32, #tpu.memory_space<vmem>>
      %dma_start3A_128 = arith.constant 0 : i32
      %dma_start3A_129 = tpu.memref_slice %arg4[%squeeze3A_117, %dma_start3A_128] : memref<100000x3xf32, #tpu.memory_space<hbm>> -> memref<1x3xf32, #tpu.memory_space<hbm>>
      %dma_start3A_130 = arith.constant 0 : i32
      %dma_start3A_131 = tpu.memref_slice %arg14[%add3A_115, %dma_start3A_130] : memref<128x3xf32, #tpu.memory_space<vmem>> -> memref<1x3xf32, #tpu.memory_space<vmem>>
      %dma_start3A_132 = arith.constant 0 : i32
      %dma_start3A_133 = tpu.memref_slice %arg4[%squeeze3A_117, %dma_start3A_132] : memref<100000x3xf32, #tpu.memory_space<hbm>> -> memref<1x3xf32, #tpu.memory_space<hbm>>
      tpu.enqueue_dma source(%dma_start3A_133 : memref<1x3xf32, #tpu.memory_space<hbm>>) target(%dma_start3A_131 : memref<1x3xf32, #tpu.memory_space<vmem>>) target_semaphore(%arg16 : memref<!tpu.dma_semaphore, #tpu.memory_space<semaphore_mem>>)
      %dma_start3A_134 = arith.constant 0 : i32
      %dma_start3A_135 = tpu.memref_slice %arg15[%add3A_115, %dma_start3A_134] : memref<128x3xf32, #tpu.memory_space<vmem>> -> memref<1x3xf32, #tpu.memory_space<vmem>>
      %dma_start3A_136 = arith.constant 0 : i32
      %dma_start3A_137 = tpu.memref_slice %arg5[%squeeze3A_117, %dma_start3A_136] : memref<100000x3xf32, #tpu.memory_space<hbm>> -> memref<1x3xf32, #tpu.memory_space<hbm>>
      %dma_start3A_138 = arith.constant 0 : i32
      %dma_start3A_139 = tpu.memref_slice %arg15[%add3A_115, %dma_start3A_138] : memref<128x3xf32, #tpu.memory_space<vmem>> -> memref<1x3xf32, #tpu.memory_space<vmem>>
      %dma_start3A_140 = arith.constant 0 : i32
      %dma_start3A_141 = tpu.memref_slice %arg5[%squeeze3A_117, %dma_start3A_140] : memref<100000x3xf32, #tpu.memory_space<hbm>> -> memref<1x3xf32, #tpu.memory_space<hbm>>
      tpu.enqueue_dma source(%dma_start3A_141 : memref<1x3xf32, #tpu.memory_space<hbm>>) target(%dma_start3A_139 : memref<1x3xf32, #tpu.memory_space<vmem>>) target_semaphore(%arg16 : memref<!tpu.dma_semaphore, #tpu.memory_space<semaphore_mem>>)
      %dma_start3A_142 = arith.constant 0 : i32
      %dma_start3A_143 = tpu.memref_slice %arg12[%add3A_115, %dma_start3A_142] : memref<128x10xf32, #tpu.memory_space<vmem>> -> memref<1x10xf32, #tpu.memory_space<vmem>>
      %dma_start3A_144 = arith.constant 0 : i32
      %dma_start3A_145 = arith.constant 0 : i32
      %dma_start3A_146 = tpu.memref_slice %arg3[%dma_start3A_144, %dma_start3A_145] : memref<100000x10xf32, #tpu.memory_space<hbm>> -> memref<1x10xf32, #tpu.memory_space<hbm>>
      %dma_start3A_147 = arith.constant 0 : i32
      %dma_start3A_148 = tpu.memref_slice %arg12[%add3A_115, %dma_start3A_147] : memref<128x10xf32, #tpu.memory_space<vmem>> -> memref<1x10xf32, #tpu.memory_space<vmem>>
      %dma_start3A_149 = arith.constant 0 : i32
      %dma_start3A_150 = arith.constant 0 : i32
      %dma_start3A_151 = tpu.memref_slice %arg3[%dma_start3A_149, %dma_start3A_150] : memref<100000x10xf32, #tpu.memory_space<hbm>> -> memref<1x10xf32, #tpu.memory_space<hbm>>
      tpu.enqueue_dma source(%dma_start3A_151 : memref<1x10xf32, #tpu.memory_space<hbm>>) target(%dma_start3A_148 : memref<1x10xf32, #tpu.memory_space<vmem>>) target_semaphore(%arg16 : memref<!tpu.dma_semaphore, #tpu.memory_space<semaphore_mem>>)
      %mul3A_152 = arith.constant 16 : i32
      %mul3A_153 = arith.muli %scan3A_30, %mul3A_152 : i32
      %add3A_154 = arith.constant 3 : i32
      %add3A_155 = arith.addi %mul3A_153, %add3A_154 : i32
      %slice3A_156 = vector.extract_strided_slice %get3A_34 {offsets = [3], sizes = [1], strides = [1]} : vector<16xi32> to vector<1xi32>
      %squeeze3A_157 = vector.extract %slice3A_156[0] : i32 from vector<1xi32>
      %dma_start3A_158 = arith.constant 0 : i32
      %dma_start3A_159 = tpu.memref_slice %arg13[%add3A_155, %dma_start3A_158] : memref<128x69xf32, #tpu.memory_space<vmem>> -> memref<1x69xf32, #tpu.memory_space<vmem>>
      %dma_start3A_160 = arith.constant 0 : i32
      %dma_start3A_161 = tpu.memref_slice %arg6[%squeeze3A_157, %dma_start3A_160] : memref<100000x69xf32, #tpu.memory_space<hbm>> -> memref<1x69xf32, #tpu.memory_space<hbm>>
      %dma_start3A_162 = arith.constant 0 : i32
      %dma_start3A_163 = tpu.memref_slice %arg13[%add3A_155, %dma_start3A_162] : memref<128x69xf32, #tpu.memory_space<vmem>> -> memref<1x69xf32, #tpu.memory_space<vmem>>
      %dma_start3A_164 = arith.constant 0 : i32
      %dma_start3A_165 = tpu.memref_slice %arg6[%squeeze3A_157, %dma_start3A_164] : memref<100000x69xf32, #tpu.memory_space<hbm>> -> memref<1x69xf32, #tpu.memory_space<hbm>>
      tpu.enqueue_dma source(%dma_start3A_165 : memref<1x69xf32, #tpu.memory_space<hbm>>) target(%dma_start3A_163 : memref<1x69xf32, #tpu.memory_space<vmem>>) target_semaphore(%arg16 : memref<!tpu.dma_semaphore, #tpu.memory_space<semaphore_mem>>)
      %dma_start3A_166 = arith.constant 0 : i32
      %dma_start3A_167 = tpu.memref_slice %arg14[%add3A_155, %dma_start3A_166] : memref<128x3xf32, #tpu.memory_space<vmem>> -> memref<1x3xf32, #tpu.memory_space<vmem>>
      %dma_start3A_168 = arith.constant 0 : i32
      %dma_start3A_169 = tpu.memref_slice %arg4[%squeeze3A_157, %dma_start3A_168] : memref<100000x3xf32, #tpu.memory_space<hbm>> -> memref<1x3xf32, #tpu.memory_space<hbm>>
      %dma_start3A_170 = arith.constant 0 : i32
      %dma_start3A_171 = tpu.memref_slice %arg14[%add3A_155, %dma_start3A_170] : memref<128x3xf32, #tpu.memory_space<vmem>> -> memref<1x3xf32, #tpu.memory_space<vmem>>
      %dma_start3A_172 = arith.constant 0 : i32
      %dma_start3A_173 = tpu.memref_slice %arg4[%squeeze3A_157, %dma_start3A_172] : memref<100000x3xf32, #tpu.memory_space<hbm>> -> memref<1x3xf32, #tpu.memory_space<hbm>>
      tpu.enqueue_dma source(%dma_start3A_173 : memref<1x3xf32, #tpu.memory_space<hbm>>) target(%dma_start3A_171 : memref<1x3xf32, #tpu.memory_space<vmem>>) target_semaphore(%arg16 : memref<!tpu.dma_semaphore, #tpu.memory_space<semaphore_mem>>)
      %dma_start3A_174 = arith.constant 0 : i32
      %dma_start3A_175 = tpu.memref_slice %arg15[%add3A_155, %dma_start3A_174] : memref<128x3xf32, #tpu.memory_space<vmem>> -> memref<1x3xf32, #tpu.memory_space<vmem>>
      %dma_start3A_176 = arith.constant 0 : i32
      %dma_start3A_177 = tpu.memref_slice %arg5[%squeeze3A_157, %dma_start3A_176] : memref<100000x3xf32, #tpu.memory_space<hbm>> -> memref<1x3xf32, #tpu.memory_space<hbm>>
      %dma_start3A_178 = arith.constant 0 : i32
      %dma_start3A_179 = tpu.memref_slice %arg15[%add3A_155, %dma_start3A_178] : memref<128x3xf32, #tpu.memory_space<vmem>> -> memref<1x3xf32, #tpu.memory_space<vmem>>
      %dma_start3A_180 = arith.constant 0 : i32
      %dma_start3A_181 = tpu.memref_slice %arg5[%squeeze3A_157, %dma_start3A_180] : memref<100000x3xf32, #tpu.memory_space<hbm>> -> memref<1x3xf32, #tpu.memory_space<hbm>>
      tpu.enqueue_dma source(%dma_start3A_181 : memref<1x3xf32, #tpu.memory_space<hbm>>) target(%dma_start3A_179 : memref<1x3xf32, #tpu.memory_space<vmem>>) target_semaphore(%arg16 : memref<!tpu.dma_semaphore, #tpu.memory_space<semaphore_mem>>)
      %dma_start3A_182 = arith.constant 0 : i32
      %dma_start3A_183 = tpu.memref_slice %arg12[%add3A_155, %dma_start3A_182] : memref<128x10xf32, #tpu.memory_space<vmem>> -> memref<1x10xf32, #tpu.memory_space<vmem>>
      %dma_start3A_184 = arith.constant 0 : i32
      %dma_start3A_185 = arith.constant 0 : i32
      %dma_start3A_186 = tpu.memref_slice %arg3[%dma_start3A_184, %dma_start3A_185] : memref<100000x10xf32, #tpu.memory_space<hbm>> -> memref<1x10xf32, #tpu.memory_space<hbm>>
      %dma_start3A_187 = arith.constant 0 : i32
      %dma_start3A_188 = tpu.memref_slice %arg12[%add3A_155, %dma_start3A_187] : memref<128x10xf32, #tpu.memory_space<vmem>> -> memref<1x10xf32, #tpu.memory_space<vmem>>
      %dma_start3A_189 = arith.constant 0 : i32
      %dma_start3A_190 = arith.constant 0 : i32
      %dma_start3A_191 = tpu.memref_slice %arg3[%dma_start3A_189, %dma_start3A_190] : memref<100000x10xf32, #tpu.memory_space<hbm>> -> memref<1x10xf32, #tpu.memory_space<hbm>>
      tpu.enqueue_dma source(%dma_start3A_191 : memref<1x10xf32, #tpu.memory_space<hbm>>) target(%dma_start3A_188 : memref<1x10xf32, #tpu.memory_space<vmem>>) target_semaphore(%arg16 : memref<!tpu.dma_semaphore, #tpu.memory_space<semaphore_mem>>)
      %mul3A_192 = arith.constant 16 : i32
      %mul3A_193 = arith.muli %scan3A_30, %mul3A_192 : i32
      %add3A_194 = arith.constant 4 : i32
      %add3A_195 = arith.addi %mul3A_193, %add3A_194 : i32
      %slice3A_196 = vector.extract_strided_slice %get3A_34 {offsets = [4], sizes = [1], strides = [1]} : vector<16xi32> to vector<1xi32>
      %squeeze3A_197 = vector.extract %slice3A_196[0] : i32 from vector<1xi32>
      %dma_start3A_198 = arith.constant 0 : i32
      %dma_start3A_199 = tpu.memref_slice %arg13[%add3A_195, %dma_start3A_198] : memref<128x69xf32, #tpu.memory_space<vmem>> -> memref<1x69xf32, #tpu.memory_space<vmem>>
      %dma_start3A_200 = arith.constant 0 : i32
      %dma_start3A_201 = tpu.memref_slice %arg6[%squeeze3A_197, %dma_start3A_200] : memref<100000x69xf32, #tpu.memory_space<hbm>> -> memref<1x69xf32, #tpu.memory_space<hbm>>
      %dma_start3A_202 = arith.constant 0 : i32
      %dma_start3A_203 = tpu.memref_slice %arg13[%add3A_195, %dma_start3A_202] : memref<128x69xf32, #tpu.memory_space<vmem>> -> memref<1x69xf32, #tpu.memory_space<vmem>>
      %dma_start3A_204 = arith.constant 0 : i32
      %dma_start3A_205 = tpu.memref_slice %arg6[%squeeze3A_197, %dma_start3A_204] : memref<100000x69xf32, #tpu.memory_space<hbm>> -> memref<1x69xf32, #tpu.memory_space<hbm>>
      tpu.enqueue_dma source(%dma_start3A_205 : memref<1x69xf32, #tpu.memory_space<hbm>>) target(%dma_start3A_203 : memref<1x69xf32, #tpu.memory_space<vmem>>) target_semaphore(%arg16 : memref<!tpu.dma_semaphore, #tpu.memory_space<semaphore_mem>>)
      %dma_start3A_206 = arith.constant 0 : i32
      %dma_start3A_207 = tpu.memref_slice %arg14[%add3A_195, %dma_start3A_206] : memref<128x3xf32, #tpu.memory_space<vmem>> -> memref<1x3xf32, #tpu.memory_space<vmem>>
      %dma_start3A_208 = arith.constant 0 : i32
      %dma_start3A_209 = tpu.memref_slice %arg4[%squeeze3A_197, %dma_start3A_208] : memref<100000x3xf32, #tpu.memory_space<hbm>> -> memref<1x3xf32, #tpu.memory_space<hbm>>
      %dma_start3A_210 = arith.constant 0 : i32
      %dma_start3A_211 = tpu.memref_slice %arg14[%add3A_195, %dma_start3A_210] : memref<128x3xf32, #tpu.memory_space<vmem>> -> memref<1x3xf32, #tpu.memory_space<vmem>>
      %dma_start3A_212 = arith.constant 0 : i32
      %dma_start3A_213 = tpu.memref_slice %arg4[%squeeze3A_197, %dma_start3A_212] : memref<100000x3xf32, #tpu.memory_space<hbm>> -> memref<1x3xf32, #tpu.memory_space<hbm>>
      tpu.enqueue_dma source(%dma_start3A_213 : memref<1x3xf32, #tpu.memory_space<hbm>>) target(%dma_start3A_211 : memref<1x3xf32, #tpu.memory_space<vmem>>) target_semaphore(%arg16 : memref<!tpu.dma_semaphore, #tpu.memory_space<semaphore_mem>>)
      %dma_start3A_214 = arith.constant 0 : i32
      %dma_start3A_215 = tpu.memref_slice %arg15[%add3A_195, %dma_start3A_214] : memref<128x3xf32, #tpu.memory_space<vmem>> -> memref<1x3xf32, #tpu.memory_space<vmem>>
      %dma_start3A_216 = arith.constant 0 : i32
      %dma_start3A_217 = tpu.memref_slice %arg5[%squeeze3A_197, %dma_start3A_216] : memref<100000x3xf32, #tpu.memory_space<hbm>> -> memref<1x3xf32, #tpu.memory_space<hbm>>
      %dma_start3A_218 = arith.constant 0 : i32
      %dma_start3A_219 = tpu.memref_slice %arg15[%add3A_195, %dma_start3A_218] : memref<128x3xf32, #tpu.memory_space<vmem>> -> memref<1x3xf32, #tpu.memory_space<vmem>>
      %dma_start3A_220 = arith.constant 0 : i32
      %dma_start3A_221 = tpu.memref_slice %arg5[%squeeze3A_197, %dma_start3A_220] : memref<100000x3xf32, #tpu.memory_space<hbm>> -> memref<1x3xf32, #tpu.memory_space<hbm>>
      tpu.enqueue_dma source(%dma_start3A_221 : memref<1x3xf32, #tpu.memory_space<hbm>>) target(%dma_start3A_219 : memref<1x3xf32, #tpu.memory_space<vmem>>) target_semaphore(%arg16 : memref<!tpu.dma_semaphore, #tpu.memory_space<semaphore_mem>>)
      %dma_start3A_222 = arith.constant 0 : i32
      %dma_start3A_223 = tpu.memref_slice %arg12[%add3A_195, %dma_start3A_222] : memref<128x10xf32, #tpu.memory_space<vmem>> -> memref<1x10xf32, #tpu.memory_space<vmem>>
      %dma_start3A_224 = arith.constant 0 : i32
      %dma_start3A_225 = arith.constant 0 : i32
      %dma_start3A_226 = tpu.memref_slice %arg3[%dma_start3A_224, %dma_start3A_225] : memref<100000x10xf32, #tpu.memory_space<hbm>> -> memref<1x10xf32, #tpu.memory_space<hbm>>
      %dma_start3A_227 = arith.constant 0 : i32
      %dma_start3A_228 = tpu.memref_slice %arg12[%add3A_195, %dma_start3A_227] : memref<128x10xf32, #tpu.memory_space<vmem>> -> memref<1x10xf32, #tpu.memory_space<vmem>>
      %dma_start3A_229 = arith.constant 0 : i32
      %dma_start3A_230 = arith.constant 0 : i32
      %dma_start3A_231 = tpu.memref_slice %arg3[%dma_start3A_229, %dma_start3A_230] : memref<100000x10xf32, #tpu.memory_space<hbm>> -> memref<1x10xf32, #tpu.memory_space<hbm>>
      tpu.enqueue_dma source(%dma_start3A_231 : memref<1x10xf32, #tpu.memory_space<hbm>>) target(%dma_start3A_228 : memref<1x10xf32, #tpu.memory_space<vmem>>) target_semaphore(%arg16 : memref<!tpu.dma_semaphore, #tpu.memory_space<semaphore_mem>>)
      %mul3A_232 = arith.constant 16 : i32
      %mul3A_233 = arith.muli %scan3A_30, %mul3A_232 : i32
      %add3A_234 = arith.constant 5 : i32
      %add3A_235 = arith.addi %mul3A_233, %add3A_234 : i32
      %slice3A_236 = vector.extract_strided_slice %get3A_34 {offsets = [5], sizes = [1], strides = [1]} : vector<16xi32> to vector<1xi32>
      %squeeze3A_237 = vector.extract %slice3A_236[0] : i32 from vector<1xi32>
      %dma_start3A_238 = arith.constant 0 : i32
      %dma_start3A_239 = tpu.memref_slice %arg13[%add3A_235, %dma_start3A_238] : memref<128x69xf32, #tpu.memory_space<vmem>> -> memref<1x69xf32, #tpu.memory_space<vmem>>
      %dma_start3A_240 = arith.constant 0 : i32
      %dma_start3A_241 = tpu.memref_slice %arg6[%squeeze3A_237, %dma_start3A_240] : memref<100000x69xf32, #tpu.memory_space<hbm>> -> memref<1x69xf32, #tpu.memory_space<hbm>>
      %dma_start3A_242 = arith.constant 0 : i32
      %dma_start3A_243 = tpu.memref_slice %arg13[%add3A_235, %dma_start3A_242] : memref<128x69xf32, #tpu.memory_space<vmem>> -> memref<1x69xf32, #tpu.memory_space<vmem>>
      %dma_start3A_244 = arith.constant 0 : i32
      %dma_start3A_245 = tpu.memref_slice %arg6[%squeeze3A_237, %dma_start3A_244] : memref<100000x69xf32, #tpu.memory_space<hbm>> -> memref<1x69xf32, #tpu.memory_space<hbm>>
      tpu.enqueue_dma source(%dma_start3A_245 : memref<1x69xf32, #tpu.memory_space<hbm>>) target(%dma_start3A_243 : memref<1x69xf32, #tpu.memory_space<vmem>>) target_semaphore(%arg16 : memref<!tpu.dma_semaphore, #tpu.memory_space<semaphore_mem>>)
      %dma_start3A_246 = arith.constant 0 : i32
      %dma_start3A_247 = tpu.memref_slice %arg14[%add3A_235, %dma_start3A_246] : memref<128x3xf32, #tpu.memory_space<vmem>> -> memref<1x3xf32, #tpu.memory_space<vmem>>
      %dma_start3A_248 = arith.constant 0 : i32
      %dma_start3A_249 = tpu.memref_slice %arg4[%squeeze3A_237, %dma_start3A_248] : memref<100000x3xf32, #tpu.memory_space<hbm>> -> memref<1x3xf32, #tpu.memory_space<hbm>>
      %dma_start3A_250 = arith.constant 0 : i32
      %dma_start3A_251 = tpu.memref_slice %arg14[%add3A_235, %dma_start3A_250] : memref<128x3xf32, #tpu.memory_space<vmem>> -> memref<1x3xf32, #tpu.memory_space<vmem>>
      %dma_start3A_252 = arith.constant 0 : i32
      %dma_start3A_253 = tpu.memref_slice %arg4[%squeeze3A_237, %dma_start3A_252] : memref<100000x3xf32, #tpu.memory_space<hbm>> -> memref<1x3xf32, #tpu.memory_space<hbm>>
      tpu.enqueue_dma source(%dma_start3A_253 : memref<1x3xf32, #tpu.memory_space<hbm>>) target(%dma_start3A_251 : memref<1x3xf32, #tpu.memory_space<vmem>>) target_semaphore(%arg16 : memref<!tpu.dma_semaphore, #tpu.memory_space<semaphore_mem>>)
      %dma_start3A_254 = arith.constant 0 : i32
      %dma_start3A_255 = tpu.memref_slice %arg15[%add3A_235, %dma_start3A_254] : memref<128x3xf32, #tpu.memory_space<vmem>> -> memref<1x3xf32, #tpu.memory_space<vmem>>
      %dma_start3A_256 = arith.constant 0 : i32
      %dma_start3A_257 = tpu.memref_slice %arg5[%squeeze3A_237, %dma_start3A_256] : memref<100000x3xf32, #tpu.memory_space<hbm>> -> memref<1x3xf32, #tpu.memory_space<hbm>>
      %dma_start3A_258 = arith.constant 0 : i32
      %dma_start3A_259 = tpu.memref_slice %arg15[%add3A_235, %dma_start3A_258] : memref<128x3xf32, #tpu.memory_space<vmem>> -> memref<1x3xf32, #tpu.memory_space<vmem>>
      %dma_start3A_260 = arith.constant 0 : i32
      %dma_start3A_261 = tpu.memref_slice %arg5[%squeeze3A_237, %dma_start3A_260] : memref<100000x3xf32, #tpu.memory_space<hbm>> -> memref<1x3xf32, #tpu.memory_space<hbm>>
      tpu.enqueue_dma source(%dma_start3A_261 : memref<1x3xf32, #tpu.memory_space<hbm>>) target(%dma_start3A_259 : memref<1x3xf32, #tpu.memory_space<vmem>>) target_semaphore(%arg16 : memref<!tpu.dma_semaphore, #tpu.memory_space<semaphore_mem>>)
      %dma_start3A_262 = arith.constant 0 : i32
      %dma_start3A_263 = tpu.memref_slice %arg12[%add3A_235, %dma_start3A_262] : memref<128x10xf32, #tpu.memory_space<vmem>> -> memref<1x10xf32, #tpu.memory_space<vmem>>
      %dma_start3A_264 = arith.constant 0 : i32
      %dma_start3A_265 = arith.constant 0 : i32
      %dma_start3A_266 = tpu.memref_slice %arg3[%dma_start3A_264, %dma_start3A_265] : memref<100000x10xf32, #tpu.memory_space<hbm>> -> memref<1x10xf32, #tpu.memory_space<hbm>>
      %dma_start3A_267 = arith.constant 0 : i32
      %dma_start3A_268 = tpu.memref_slice %arg12[%add3A_235, %dma_start3A_267] : memref<128x10xf32, #tpu.memory_space<vmem>> -> memref<1x10xf32, #tpu.memory_space<vmem>>
      %dma_start3A_269 = arith.constant 0 : i32
      %dma_start3A_270 = arith.constant 0 : i32
      %dma_start3A_271 = tpu.memref_slice %arg3[%dma_start3A_269, %dma_start3A_270] : memref<100000x10xf32, #tpu.memory_space<hbm>> -> memref<1x10xf32, #tpu.memory_space<hbm>>
      tpu.enqueue_dma source(%dma_start3A_271 : memref<1x10xf32, #tpu.memory_space<hbm>>) target(%dma_start3A_268 : memref<1x10xf32, #tpu.memory_space<vmem>>) target_semaphore(%arg16 : memref<!tpu.dma_semaphore, #tpu.memory_space<semaphore_mem>>)
      %mul3A_272 = arith.constant 16 : i32
      %mul3A_273 = arith.muli %scan3A_30, %mul3A_272 : i32
      %add3A_274 = arith.constant 6 : i32
      %add3A_275 = arith.addi %mul3A_273, %add3A_274 : i32
      %slice3A_276 = vector.extract_strided_slice %get3A_34 {offsets = [6], sizes = [1], strides = [1]} : vector<16xi32> to vector<1xi32>
      %squeeze3A_277 = vector.extract %slice3A_276[0] : i32 from vector<1xi32>
      %dma_start3A_278 = arith.constant 0 : i32
      %dma_start3A_279 = tpu.memref_slice %arg13[%add3A_275, %dma_start3A_278] : memref<128x69xf32, #tpu.memory_space<vmem>> -> memref<1x69xf32, #tpu.memory_space<vmem>>
      %dma_start3A_280 = arith.constant 0 : i32
      %dma_start3A_281 = tpu.memref_slice %arg6[%squeeze3A_277, %dma_start3A_280] : memref<100000x69xf32, #tpu.memory_space<hbm>> -> memref<1x69xf32, #tpu.memory_space<hbm>>
      %dma_start3A_282 = arith.constant 0 : i32
      %dma_start3A_283 = tpu.memref_slice %arg13[%add3A_275, %dma_start3A_282] : memref<128x69xf32, #tpu.memory_space<vmem>> -> memref<1x69xf32, #tpu.memory_space<vmem>>
      %dma_start3A_284 = arith.constant 0 : i32
      %dma_start3A_285 = tpu.memref_slice %arg6[%squeeze3A_277, %dma_start3A_284] : memref<100000x69xf32, #tpu.memory_space<hbm>> -> memref<1x69xf32, #tpu.memory_space<hbm>>
      tpu.enqueue_dma source(%dma_start3A_285 : memref<1x69xf32, #tpu.memory_space<hbm>>) target(%dma_start3A_283 : memref<1x69xf32, #tpu.memory_space<vmem>>) target_semaphore(%arg16 : memref<!tpu.dma_semaphore, #tpu.memory_space<semaphore_mem>>)
      %dma_start3A_286 = arith.constant 0 : i32
      %dma_start3A_287 = tpu.memref_slice %arg14[%add3A_275, %dma_start3A_286] : memref<128x3xf32, #tpu.memory_space<vmem>> -> memref<1x3xf32, #tpu.memory_space<vmem>>
      %dma_start3A_288 = arith.constant 0 : i32
      %dma_start3A_289 = tpu.memref_slice %arg4[%squeeze3A_277, %dma_start3A_288] : memref<100000x3xf32, #tpu.memory_space<hbm>> -> memref<1x3xf32, #tpu.memory_space<hbm>>
      %dma_start3A_290 = arith.constant 0 : i32
      %dma_start3A_291 = tpu.memref_slice %arg14[%add3A_275, %dma_start3A_290] : memref<128x3xf32, #tpu.memory_space<vmem>> -> memref<1x3xf32, #tpu.memory_space<vmem>>
      %dma_start3A_292 = arith.constant 0 : i32
      %dma_start3A_293 = tpu.memref_slice %arg4[%squeeze3A_277, %dma_start3A_292] : memref<100000x3xf32, #tpu.memory_space<hbm>> -> memref<1x3xf32, #tpu.memory_space<hbm>>
      tpu.enqueue_dma source(%dma_start3A_293 : memref<1x3xf32, #tpu.memory_space<hbm>>) target(%dma_start3A_291 : memref<1x3xf32, #tpu.memory_space<vmem>>) target_semaphore(%arg16 : memref<!tpu.dma_semaphore, #tpu.memory_space<semaphore_mem>>)
      %dma_start3A_294 = arith.constant 0 : i32
      %dma_start3A_295 = tpu.memref_slice %arg15[%add3A_275, %dma_start3A_294] : memref<128x3xf32, #tpu.memory_space<vmem>> -> memref<1x3xf32, #tpu.memory_space<vmem>>
      %dma_start3A_296 = arith.constant 0 : i32
      %dma_start3A_297 = tpu.memref_slice %arg5[%squeeze3A_277, %dma_start3A_296] : memref<100000x3xf32, #tpu.memory_space<hbm>> -> memref<1x3xf32, #tpu.memory_space<hbm>>
      %dma_start3A_298 = arith.constant 0 : i32
      %dma_start3A_299 = tpu.memref_slice %arg15[%add3A_275, %dma_start3A_298] : memref<128x3xf32, #tpu.memory_space<vmem>> -> memref<1x3xf32, #tpu.memory_space<vmem>>
      %dma_start3A_300 = arith.constant 0 : i32
      %dma_start3A_301 = tpu.memref_slice %arg5[%squeeze3A_277, %dma_start3A_300] : memref<100000x3xf32, #tpu.memory_space<hbm>> -> memref<1x3xf32, #tpu.memory_space<hbm>>
      tpu.enqueue_dma source(%dma_start3A_301 : memref<1x3xf32, #tpu.memory_space<hbm>>) target(%dma_start3A_299 : memref<1x3xf32, #tpu.memory_space<vmem>>) target_semaphore(%arg16 : memref<!tpu.dma_semaphore, #tpu.memory_space<semaphore_mem>>)
      %dma_start3A_302 = arith.constant 0 : i32
      %dma_start3A_303 = tpu.memref_slice %arg12[%add3A_275, %dma_start3A_302] : memref<128x10xf32, #tpu.memory_space<vmem>> -> memref<1x10xf32, #tpu.memory_space<vmem>>
      %dma_start3A_304 = arith.constant 0 : i32
      %dma_start3A_305 = arith.constant 0 : i32
      %dma_start3A_306 = tpu.memref_slice %arg3[%dma_start3A_304, %dma_start3A_305] : memref<100000x10xf32, #tpu.memory_space<hbm>> -> memref<1x10xf32, #tpu.memory_space<hbm>>
      %dma_start3A_307 = arith.constant 0 : i32
      %dma_start3A_308 = tpu.memref_slice %arg12[%add3A_275, %dma_start3A_307] : memref<128x10xf32, #tpu.memory_space<vmem>> -> memref<1x10xf32, #tpu.memory_space<vmem>>
      %dma_start3A_309 = arith.constant 0 : i32
      %dma_start3A_310 = arith.constant 0 : i32
      %dma_start3A_311 = tpu.memref_slice %arg3[%dma_start3A_309, %dma_start3A_310] : memref<100000x10xf32, #tpu.memory_space<hbm>> -> memref<1x10xf32, #tpu.memory_space<hbm>>
      tpu.enqueue_dma source(%dma_start3A_311 : memref<1x10xf32, #tpu.memory_space<hbm>>) target(%dma_start3A_308 : memref<1x10xf32, #tpu.memory_space<vmem>>) target_semaphore(%arg16 : memref<!tpu.dma_semaphore, #tpu.memory_space<semaphore_mem>>)
      %mul3A_312 = arith.constant 16 : i32
      %mul3A_313 = arith.muli %scan3A_30, %mul3A_312 : i32
      %add3A_314 = arith.constant 7 : i32
      %add3A_315 = arith.addi %mul3A_313, %add3A_314 : i32
      %slice3A_316 = vector.extract_strided_slice %get3A_34 {offsets = [7], sizes = [1], strides = [1]} : vector<16xi32> to vector<1xi32>
      %squeeze3A_317 = vector.extract %slice3A_316[0] : i32 from vector<1xi32>
      %dma_start3A_318 = arith.constant 0 : i32
      %dma_start3A_319 = tpu.memref_slice %arg13[%add3A_315, %dma_start3A_318] : memref<128x69xf32, #tpu.memory_space<vmem>> -> memref<1x69xf32, #tpu.memory_space<vmem>>
      %dma_start3A_320 = arith.constant 0 : i32
      %dma_start3A_321 = tpu.memref_slice %arg6[%squeeze3A_317, %dma_start3A_320] : memref<100000x69xf32, #tpu.memory_space<hbm>> -> memref<1x69xf32, #tpu.memory_space<hbm>>
      %dma_start3A_322 = arith.constant 0 : i32
      %dma_start3A_323 = tpu.memref_slice %arg13[%add3A_315, %dma_start3A_322] : memref<128x69xf32, #tpu.memory_space<vmem>> -> memref<1x69xf32, #tpu.memory_space<vmem>>
      %dma_start3A_324 = arith.constant 0 : i32
      %dma_start3A_325 = tpu.memref_slice %arg6[%squeeze3A_317, %dma_start3A_324] : memref<100000x69xf32, #tpu.memory_space<hbm>> -> memref<1x69xf32, #tpu.memory_space<hbm>>
      tpu.enqueue_dma source(%dma_start3A_325 : memref<1x69xf32, #tpu.memory_space<hbm>>) target(%dma_start3A_323 : memref<1x69xf32, #tpu.memory_space<vmem>>) target_semaphore(%arg16 : memref<!tpu.dma_semaphore, #tpu.memory_space<semaphore_mem>>)
      %dma_start3A_326 = arith.constant 0 : i32
      %dma_start3A_327 = tpu.memref_slice %arg14[%add3A_315, %dma_start3A_326] : memref<128x3xf32, #tpu.memory_space<vmem>> -> memref<1x3xf32, #tpu.memory_space<vmem>>
      %dma_start3A_328 = arith.constant 0 : i32
      %dma_start3A_329 = tpu.memref_slice %arg4[%squeeze3A_317, %dma_start3A_328] : memref<100000x3xf32, #tpu.memory_space<hbm>> -> memref<1x3xf32, #tpu.memory_space<hbm>>
      %dma_start3A_330 = arith.constant 0 : i32
      %dma_start3A_331 = tpu.memref_slice %arg14[%add3A_315, %dma_start3A_330] : memref<128x3xf32, #tpu.memory_space<vmem>> -> memref<1x3xf32, #tpu.memory_space<vmem>>
      %dma_start3A_332 = arith.constant 0 : i32
      %dma_start3A_333 = tpu.memref_slice %arg4[%squeeze3A_317, %dma_start3A_332] : memref<100000x3xf32, #tpu.memory_space<hbm>> -> memref<1x3xf32, #tpu.memory_space<hbm>>
      tpu.enqueue_dma source(%dma_start3A_333 : memref<1x3xf32, #tpu.memory_space<hbm>>) target(%dma_start3A_331 : memref<1x3xf32, #tpu.memory_space<vmem>>) target_semaphore(%arg16 : memref<!tpu.dma_semaphore, #tpu.memory_space<semaphore_mem>>)
      %dma_start3A_334 = arith.constant 0 : i32
      %dma_start3A_335 = tpu.memref_slice %arg15[%add3A_315, %dma_start3A_334] : memref<128x3xf32, #tpu.memory_space<vmem>> -> memref<1x3xf32, #tpu.memory_space<vmem>>
      %dma_start3A_336 = arith.constant 0 : i32
      %dma_start3A_337 = tpu.memref_slice %arg5[%squeeze3A_317, %dma_start3A_336] : memref<100000x3xf32, #tpu.memory_space<hbm>> -> memref<1x3xf32, #tpu.memory_space<hbm>>
      %dma_start3A_338 = arith.constant 0 : i32
      %dma_start3A_339 = tpu.memref_slice %arg15[%add3A_315, %dma_start3A_338] : memref<128x3xf32, #tpu.memory_space<vmem>> -> memref<1x3xf32, #tpu.memory_space<vmem>>
      %dma_start3A_340 = arith.constant 0 : i32
      %dma_start3A_341 = tpu.memref_slice %arg5[%squeeze3A_317, %dma_start3A_340] : memref<100000x3xf32, #tpu.memory_space<hbm>> -> memref<1x3xf32, #tpu.memory_space<hbm>>
      tpu.enqueue_dma source(%dma_start3A_341 : memref<1x3xf32, #tpu.memory_space<hbm>>) target(%dma_start3A_339 : memref<1x3xf32, #tpu.memory_space<vmem>>) target_semaphore(%arg16 : memref<!tpu.dma_semaphore, #tpu.memory_space<semaphore_mem>>)
      %dma_start3A_342 = arith.constant 0 : i32
      %dma_start3A_343 = tpu.memref_slice %arg12[%add3A_315, %dma_start3A_342] : memref<128x10xf32, #tpu.memory_space<vmem>> -> memref<1x10xf32, #tpu.memory_space<vmem>>
      %dma_start3A_344 = arith.constant 0 : i32
      %dma_start3A_345 = arith.constant 0 : i32
      %dma_start3A_346 = tpu.memref_slice %arg3[%dma_start3A_344, %dma_start3A_345] : memref<100000x10xf32, #tpu.memory_space<hbm>> -> memref<1x10xf32, #tpu.memory_space<hbm>>
      %dma_start3A_347 = arith.constant 0 : i32
      %dma_start3A_348 = tpu.memref_slice %arg12[%add3A_315, %dma_start3A_347] : memref<128x10xf32, #tpu.memory_space<vmem>> -> memref<1x10xf32, #tpu.memory_space<vmem>>
      %dma_start3A_349 = arith.constant 0 : i32
      %dma_start3A_350 = arith.constant 0 : i32
      %dma_start3A_351 = tpu.memref_slice %arg3[%dma_start3A_349, %dma_start3A_350] : memref<100000x10xf32, #tpu.memory_space<hbm>> -> memref<1x10xf32, #tpu.memory_space<hbm>>
      tpu.enqueue_dma source(%dma_start3A_351 : memref<1x10xf32, #tpu.memory_space<hbm>>) target(%dma_start3A_348 : memref<1x10xf32, #tpu.memory_space<vmem>>) target_semaphore(%arg16 : memref<!tpu.dma_semaphore, #tpu.memory_space<semaphore_mem>>)
      %mul3A_352 = arith.constant 16 : i32
      %mul3A_353 = arith.muli %scan3A_30, %mul3A_352 : i32
      %add3A_354 = arith.constant 8 : i32
      %add3A_355 = arith.addi %mul3A_353, %add3A_354 : i32
      %slice3A_356 = vector.extract_strided_slice %get3A_34 {offsets = [8], sizes = [1], strides = [1]} : vector<16xi32> to vector<1xi32>
      %squeeze3A_357 = vector.extract %slice3A_356[0] : i32 from vector<1xi32>
      %dma_start3A_358 = arith.constant 0 : i32
      %dma_start3A_359 = tpu.memref_slice %arg13[%add3A_355, %dma_start3A_358] : memref<128x69xf32, #tpu.memory_space<vmem>> -> memref<1x69xf32, #tpu.memory_space<vmem>>
      %dma_start3A_360 = arith.constant 0 : i32
      %dma_start3A_361 = tpu.memref_slice %arg6[%squeeze3A_357, %dma_start3A_360] : memref<100000x69xf32, #tpu.memory_space<hbm>> -> memref<1x69xf32, #tpu.memory_space<hbm>>
      %dma_start3A_362 = arith.constant 0 : i32
      %dma_start3A_363 = tpu.memref_slice %arg13[%add3A_355, %dma_start3A_362] : memref<128x69xf32, #tpu.memory_space<vmem>> -> memref<1x69xf32, #tpu.memory_space<vmem>>
      %dma_start3A_364 = arith.constant 0 : i32
      %dma_start3A_365 = tpu.memref_slice %arg6[%squeeze3A_357, %dma_start3A_364] : memref<100000x69xf32, #tpu.memory_space<hbm>> -> memref<1x69xf32, #tpu.memory_space<hbm>>
      tpu.enqueue_dma source(%dma_start3A_365 : memref<1x69xf32, #tpu.memory_space<hbm>>) target(%dma_start3A_363 : memref<1x69xf32, #tpu.memory_space<vmem>>) target_semaphore(%arg16 : memref<!tpu.dma_semaphore, #tpu.memory_space<semaphore_mem>>)
      %dma_start3A_366 = arith.constant 0 : i32
      %dma_start3A_367 = tpu.memref_slice %arg14[%add3A_355, %dma_start3A_366] : memref<128x3xf32, #tpu.memory_space<vmem>> -> memref<1x3xf32, #tpu.memory_space<vmem>>
      %dma_start3A_368 = arith.constant 0 : i32
      %dma_start3A_369 = tpu.memref_slice %arg4[%squeeze3A_357, %dma_start3A_368] : memref<100000x3xf32, #tpu.memory_space<hbm>> -> memref<1x3xf32, #tpu.memory_space<hbm>>
      %dma_start3A_370 = arith.constant 0 : i32
      %dma_start3A_371 = tpu.memref_slice %arg14[%add3A_355, %dma_start3A_370] : memref<128x3xf32, #tpu.memory_space<vmem>> -> memref<1x3xf32, #tpu.memory_space<vmem>>
      %dma_start3A_372 = arith.constant 0 : i32
      %dma_start3A_373 = tpu.memref_slice %arg4[%squeeze3A_357, %dma_start3A_372] : memref<100000x3xf32, #tpu.memory_space<hbm>> -> memref<1x3xf32, #tpu.memory_space<hbm>>
      tpu.enqueue_dma source(%dma_start3A_373 : memref<1x3xf32, #tpu.memory_space<hbm>>) target(%dma_start3A_371 : memref<1x3xf32, #tpu.memory_space<vmem>>) target_semaphore(%arg16 : memref<!tpu.dma_semaphore, #tpu.memory_space<semaphore_mem>>)
      %dma_start3A_374 = arith.constant 0 : i32
      %dma_start3A_375 = tpu.memref_slice %arg15[%add3A_355, %dma_start3A_374] : memref<128x3xf32, #tpu.memory_space<vmem>> -> memref<1x3xf32, #tpu.memory_space<vmem>>
      %dma_start3A_376 = arith.constant 0 : i32
      %dma_start3A_377 = tpu.memref_slice %arg5[%squeeze3A_357, %dma_start3A_376] : memref<100000x3xf32, #tpu.memory_space<hbm>> -> memref<1x3xf32, #tpu.memory_space<hbm>>
      %dma_start3A_378 = arith.constant 0 : i32
      %dma_start3A_379 = tpu.memref_slice %arg15[%add3A_355, %dma_start3A_378] : memref<128x3xf32, #tpu.memory_space<vmem>> -> memref<1x3xf32, #tpu.memory_space<vmem>>
      %dma_start3A_380 = arith.constant 0 : i32
      %dma_start3A_381 = tpu.memref_slice %arg5[%squeeze3A_357, %dma_start3A_380] : memref<100000x3xf32, #tpu.memory_space<hbm>> -> memref<1x3xf32, #tpu.memory_space<hbm>>
      tpu.enqueue_dma source(%dma_start3A_381 : memref<1x3xf32, #tpu.memory_space<hbm>>) target(%dma_start3A_379 : memref<1x3xf32, #tpu.memory_space<vmem>>) target_semaphore(%arg16 : memref<!tpu.dma_semaphore, #tpu.memory_space<semaphore_mem>>)
      %dma_start3A_382 = arith.constant 0 : i32
      %dma_start3A_383 = tpu.memref_slice %arg12[%add3A_355, %dma_start3A_382] : memref<128x10xf32, #tpu.memory_space<vmem>> -> memref<1x10xf32, #tpu.memory_space<vmem>>
      %dma_start3A_384 = arith.constant 0 : i32
      %dma_start3A_385 = arith.constant 0 : i32
      %dma_start3A_386 = tpu.memref_slice %arg3[%dma_start3A_384, %dma_start3A_385] : memref<100000x10xf32, #tpu.memory_space<hbm>> -> memref<1x10xf32, #tpu.memory_space<hbm>>
      %dma_start3A_387 = arith.constant 0 : i32
      %dma_start3A_388 = tpu.memref_slice %arg12[%add3A_355, %dma_start3A_387] : memref<128x10xf32, #tpu.memory_space<vmem>> -> memref<1x10xf32, #tpu.memory_space<vmem>>
      %dma_start3A_389 = arith.constant 0 : i32
      %dma_start3A_390 = arith.constant 0 : i32
      %dma_start3A_391 = tpu.memref_slice %arg3[%dma_start3A_389, %dma_start3A_390] : memref<100000x10xf32, #tpu.memory_space<hbm>> -> memref<1x10xf32, #tpu.memory_space<hbm>>
      tpu.enqueue_dma source(%dma_start3A_391 : memref<1x10xf32, #tpu.memory_space<hbm>>) target(%dma_start3A_388 : memref<1x10xf32, #tpu.memory_space<vmem>>) target_semaphore(%arg16 : memref<!tpu.dma_semaphore, #tpu.memory_space<semaphore_mem>>)
      %mul3A_392 = arith.constant 16 : i32
      %mul3A_393 = arith.muli %scan3A_30, %mul3A_392 : i32
      %add3A_394 = arith.constant 9 : i32
      %add3A_395 = arith.addi %mul3A_393, %add3A_394 : i32
      %slice3A_396 = vector.extract_strided_slice %get3A_34 {offsets = [9], sizes = [1], strides = [1]} : vector<16xi32> to vector<1xi32>
      %squeeze3A_397 = vector.extract %slice3A_396[0] : i32 from vector<1xi32>
      %dma_start3A_398 = arith.constant 0 : i32
      %dma_start3A_399 = tpu.memref_slice %arg13[%add3A_395, %dma_start3A_398] : memref<128x69xf32, #tpu.memory_space<vmem>> -> memref<1x69xf32, #tpu.memory_space<vmem>>
      %dma_start3A_400 = arith.constant 0 : i32
      %dma_start3A_401 = tpu.memref_slice %arg6[%squeeze3A_397, %dma_start3A_400] : memref<100000x69xf32, #tpu.memory_space<hbm>> -> memref<1x69xf32, #tpu.memory_space<hbm>>
      %dma_start3A_402 = arith.constant 0 : i32
      %dma_start3A_403 = tpu.memref_slice %arg13[%add3A_395, %dma_start3A_402] : memref<128x69xf32, #tpu.memory_space<vmem>> -> memref<1x69xf32, #tpu.memory_space<vmem>>
      %dma_start3A_404 = arith.constant 0 : i32
      %dma_start3A_405 = tpu.memref_slice %arg6[%squeeze3A_397, %dma_start3A_404] : memref<100000x69xf32, #tpu.memory_space<hbm>> -> memref<1x69xf32, #tpu.memory_space<hbm>>
      tpu.enqueue_dma source(%dma_start3A_405 : memref<1x69xf32, #tpu.memory_space<hbm>>) target(%dma_start3A_403 : memref<1x69xf32, #tpu.memory_space<vmem>>) target_semaphore(%arg16 : memref<!tpu.dma_semaphore, #tpu.memory_space<semaphore_mem>>)
      %dma_start3A_406 = arith.constant 0 : i32
      %dma_start3A_407 = tpu.memref_slice %arg14[%add3A_395, %dma_start3A_406] : memref<128x3xf32, #tpu.memory_space<vmem>> -> memref<1x3xf32, #tpu.memory_space<vmem>>
      %dma_start3A_408 = arith.constant 0 : i32
      %dma_start3A_409 = tpu.memref_slice %arg4[%squeeze3A_397, %dma_start3A_408] : memref<100000x3xf32, #tpu.memory_space<hbm>> -> memref<1x3xf32, #tpu.memory_space<hbm>>
      %dma_start3A_410 = arith.constant 0 : i32
      %dma_start3A_411 = tpu.memref_slice %arg14[%add3A_395, %dma_start3A_410] : memref<128x3xf32, #tpu.memory_space<vmem>> -> memref<1x3xf32, #tpu.memory_space<vmem>>
      %dma_start3A_412 = arith.constant 0 : i32
      %dma_start3A_413 = tpu.memref_slice %arg4[%squeeze3A_397, %dma_start3A_412] : memref<100000x3xf32, #tpu.memory_space<hbm>> -> memref<1x3xf32, #tpu.memory_space<hbm>>
      tpu.enqueue_dma source(%dma_start3A_413 : memref<1x3xf32, #tpu.memory_space<hbm>>) target(%dma_start3A_411 : memref<1x3xf32, #tpu.memory_space<vmem>>) target_semaphore(%arg16 : memref<!tpu.dma_semaphore, #tpu.memory_space<semaphore_mem>>)
      %dma_start3A_414 = arith.constant 0 : i32
      %dma_start3A_415 = tpu.memref_slice %arg15[%add3A_395, %dma_start3A_414] : memref<128x3xf32, #tpu.memory_space<vmem>> -> memref<1x3xf32, #tpu.memory_space<vmem>>
      %dma_start3A_416 = arith.constant 0 : i32
      %dma_start3A_417 = tpu.memref_slice %arg5[%squeeze3A_397, %dma_start3A_416] : memref<100000x3xf32, #tpu.memory_space<hbm>> -> memref<1x3xf32, #tpu.memory_space<hbm>>
      %dma_start3A_418 = arith.constant 0 : i32
      %dma_start3A_419 = tpu.memref_slice %arg15[%add3A_395, %dma_start3A_418] : memref<128x3xf32, #tpu.memory_space<vmem>> -> memref<1x3xf32, #tpu.memory_space<vmem>>
      %dma_start3A_420 = arith.constant 0 : i32
      %dma_start3A_421 = tpu.memref_slice %arg5[%squeeze3A_397, %dma_start3A_420] : memref<100000x3xf32, #tpu.memory_space<hbm>> -> memref<1x3xf32, #tpu.memory_space<hbm>>
      tpu.enqueue_dma source(%dma_start3A_421 : memref<1x3xf32, #tpu.memory_space<hbm>>) target(%dma_start3A_419 : memref<1x3xf32, #tpu.memory_space<vmem>>) target_semaphore(%arg16 : memref<!tpu.dma_semaphore, #tpu.memory_space<semaphore_mem>>)
      %dma_start3A_422 = arith.constant 0 : i32
      %dma_start3A_423 = tpu.memref_slice %arg12[%add3A_395, %dma_start3A_422] : memref<128x10xf32, #tpu.memory_space<vmem>> -> memref<1x10xf32, #tpu.memory_space<vmem>>
      %dma_start3A_424 = arith.constant 0 : i32
      %dma_start3A_425 = arith.constant 0 : i32
      %dma_start3A_426 = tpu.memref_slice %arg3[%dma_start3A_424, %dma_start3A_425] : memref<100000x10xf32, #tpu.memory_space<hbm>> -> memref<1x10xf32, #tpu.memory_space<hbm>>
      %dma_start3A_427 = arith.constant 0 : i32
      %dma_start3A_428 = tpu.memref_slice %arg12[%add3A_395, %dma_start3A_427] : memref<128x10xf32, #tpu.memory_space<vmem>> -> memref<1x10xf32, #tpu.memory_space<vmem>>
      %dma_start3A_429 = arith.constant 0 : i32
      %dma_start3A_430 = arith.constant 0 : i32
      %dma_start3A_431 = tpu.memref_slice %arg3[%dma_start3A_429, %dma_start3A_430] : memref<100000x10xf32, #tpu.memory_space<hbm>> -> memref<1x10xf32, #tpu.memory_space<hbm>>
      tpu.enqueue_dma source(%dma_start3A_431 : memref<1x10xf32, #tpu.memory_space<hbm>>) target(%dma_start3A_428 : memref<1x10xf32, #tpu.memory_space<vmem>>) target_semaphore(%arg16 : memref<!tpu.dma_semaphore, #tpu.memory_space<semaphore_mem>>)
      %mul3A_432 = arith.constant 16 : i32
      %mul3A_433 = arith.muli %scan3A_30, %mul3A_432 : i32
      %add3A_434 = arith.constant 10 : i32
      %add3A_435 = arith.addi %mul3A_433, %add3A_434 : i32
      %slice3A_436 = vector.extract_strided_slice %get3A_34 {offsets = [10], sizes = [1], strides = [1]} : vector<16xi32> to vector<1xi32>
      %squeeze3A_437 = vector.extract %slice3A_436[0] : i32 from vector<1xi32>
      %dma_start3A_438 = arith.constant 0 : i32
      %dma_start3A_439 = tpu.memref_slice %arg13[%add3A_435, %dma_start3A_438] : memref<128x69xf32, #tpu.memory_space<vmem>> -> memref<1x69xf32, #tpu.memory_space<vmem>>
      %dma_start3A_440 = arith.constant 0 : i32
      %dma_start3A_441 = tpu.memref_slice %arg6[%squeeze3A_437, %dma_start3A_440] : memref<100000x69xf32, #tpu.memory_space<hbm>> -> memref<1x69xf32, #tpu.memory_space<hbm>>
      %dma_start3A_442 = arith.constant 0 : i32
      %dma_start3A_443 = tpu.memref_slice %arg13[%add3A_435, %dma_start3A_442] : memref<128x69xf32, #tpu.memory_space<vmem>> -> memref<1x69xf32, #tpu.memory_space<vmem>>
      %dma_start3A_444 = arith.constant 0 : i32
      %dma_start3A_445 = tpu.memref_slice %arg6[%squeeze3A_437, %dma_start3A_444] : memref<100000x69xf32, #tpu.memory_space<hbm>> -> memref<1x69xf32, #tpu.memory_space<hbm>>
      tpu.enqueue_dma source(%dma_start3A_445 : memref<1x69xf32, #tpu.memory_space<hbm>>) target(%dma_start3A_443 : memref<1x69xf32, #tpu.memory_space<vmem>>) target_semaphore(%arg16 : memref<!tpu.dma_semaphore, #tpu.memory_space<semaphore_mem>>)
      %dma_start3A_446 = arith.constant 0 : i32
      %dma_start3A_447 = tpu.memref_slice %arg14[%add3A_435, %dma_start3A_446] : memref<128x3xf32, #tpu.memory_space<vmem>> -> memref<1x3xf32, #tpu.memory_space<vmem>>
      %dma_start3A_448 = arith.constant 0 : i32
      %dma_start3A_449 = tpu.memref_slice %arg4[%squeeze3A_437, %dma_start3A_448] : memref<100000x3xf32, #tpu.memory_space<hbm>> -> memref<1x3xf32, #tpu.memory_space<hbm>>
      %dma_start3A_450 = arith.constant 0 : i32
      %dma_start3A_451 = tpu.memref_slice %arg14[%add3A_435, %dma_start3A_450] : memref<128x3xf32, #tpu.memory_space<vmem>> -> memref<1x3xf32, #tpu.memory_space<vmem>>
      %dma_start3A_452 = arith.constant 0 : i32
      %dma_start3A_453 = tpu.memref_slice %arg4[%squeeze3A_437, %dma_start3A_452] : memref<100000x3xf32, #tpu.memory_space<hbm>> -> memref<1x3xf32, #tpu.memory_space<hbm>>
      tpu.enqueue_dma source(%dma_start3A_453 : memref<1x3xf32, #tpu.memory_space<hbm>>) target(%dma_start3A_451 : memref<1x3xf32, #tpu.memory_space<vmem>>) target_semaphore(%arg16 : memref<!tpu.dma_semaphore, #tpu.memory_space<semaphore_mem>>)
      %dma_start3A_454 = arith.constant 0 : i32
      %dma_start3A_455 = tpu.memref_slice %arg15[%add3A_435, %dma_start3A_454] : memref<128x3xf32, #tpu.memory_space<vmem>> -> memref<1x3xf32, #tpu.memory_space<vmem>>
      %dma_start3A_456 = arith.constant 0 : i32
      %dma_start3A_457 = tpu.memref_slice %arg5[%squeeze3A_437, %dma_start3A_456] : memref<100000x3xf32, #tpu.memory_space<hbm>> -> memref<1x3xf32, #tpu.memory_space<hbm>>
      %dma_start3A_458 = arith.constant 0 : i32
      %dma_start3A_459 = tpu.memref_slice %arg15[%add3A_435, %dma_start3A_458] : memref<128x3xf32, #tpu.memory_space<vmem>> -> memref<1x3xf32, #tpu.memory_space<vmem>>
      %dma_start3A_460 = arith.constant 0 : i32
      %dma_start3A_461 = tpu.memref_slice %arg5[%squeeze3A_437, %dma_start3A_460] : memref<100000x3xf32, #tpu.memory_space<hbm>> -> memref<1x3xf32, #tpu.memory_space<hbm>>
      tpu.enqueue_dma source(%dma_start3A_461 : memref<1x3xf32, #tpu.memory_space<hbm>>) target(%dma_start3A_459 : memref<1x3xf32, #tpu.memory_space<vmem>>) target_semaphore(%arg16 : memref<!tpu.dma_semaphore, #tpu.memory_space<semaphore_mem>>)
      %dma_start3A_462 = arith.constant 0 : i32
      %dma_start3A_463 = tpu.memref_slice %arg12[%add3A_435, %dma_start3A_462] : memref<128x10xf32, #tpu.memory_space<vmem>> -> memref<1x10xf32, #tpu.memory_space<vmem>>
      %dma_start3A_464 = arith.constant 0 : i32
      %dma_start3A_465 = arith.constant 0 : i32
      %dma_start3A_466 = tpu.memref_slice %arg3[%dma_start3A_464, %dma_start3A_465] : memref<100000x10xf32, #tpu.memory_space<hbm>> -> memref<1x10xf32, #tpu.memory_space<hbm>>
      %dma_start3A_467 = arith.constant 0 : i32
      %dma_start3A_468 = tpu.memref_slice %arg12[%add3A_435, %dma_start3A_467] : memref<128x10xf32, #tpu.memory_space<vmem>> -> memref<1x10xf32, #tpu.memory_space<vmem>>
      %dma_start3A_469 = arith.constant 0 : i32
      %dma_start3A_470 = arith.constant 0 : i32
      %dma_start3A_471 = tpu.memref_slice %arg3[%dma_start3A_469, %dma_start3A_470] : memref<100000x10xf32, #tpu.memory_space<hbm>> -> memref<1x10xf32, #tpu.memory_space<hbm>>
      tpu.enqueue_dma source(%dma_start3A_471 : memref<1x10xf32, #tpu.memory_space<hbm>>) target(%dma_start3A_468 : memref<1x10xf32, #tpu.memory_space<vmem>>) target_semaphore(%arg16 : memref<!tpu.dma_semaphore, #tpu.memory_space<semaphore_mem>>)
      %mul3A_472 = arith.constant 16 : i32
      %mul3A_473 = arith.muli %scan3A_30, %mul3A_472 : i32
      %add3A_474 = arith.constant 11 : i32
      %add3A_475 = arith.addi %mul3A_473, %add3A_474 : i32
      %slice3A_476 = vector.extract_strided_slice %get3A_34 {offsets = [11], sizes = [1], strides = [1]} : vector<16xi32> to vector<1xi32>
      %squeeze3A_477 = vector.extract %slice3A_476[0] : i32 from vector<1xi32>
      %dma_start3A_478 = arith.constant 0 : i32
      %dma_start3A_479 = tpu.memref_slice %arg13[%add3A_475, %dma_start3A_478] : memref<128x69xf32, #tpu.memory_space<vmem>> -> memref<1x69xf32, #tpu.memory_space<vmem>>
      %dma_start3A_480 = arith.constant 0 : i32
      %dma_start3A_481 = tpu.memref_slice %arg6[%squeeze3A_477, %dma_start3A_480] : memref<100000x69xf32, #tpu.memory_space<hbm>> -> memref<1x69xf32, #tpu.memory_space<hbm>>
      %dma_start3A_482 = arith.constant 0 : i32
      %dma_start3A_483 = tpu.memref_slice %arg13[%add3A_475, %dma_start3A_482] : memref<128x69xf32, #tpu.memory_space<vmem>> -> memref<1x69xf32, #tpu.memory_space<vmem>>
      %dma_start3A_484 = arith.constant 0 : i32
      %dma_start3A_485 = tpu.memref_slice %arg6[%squeeze3A_477, %dma_start3A_484] : memref<100000x69xf32, #tpu.memory_space<hbm>> -> memref<1x69xf32, #tpu.memory_space<hbm>>
      tpu.enqueue_dma source(%dma_start3A_485 : memref<1x69xf32, #tpu.memory_space<hbm>>) target(%dma_start3A_483 : memref<1x69xf32, #tpu.memory_space<vmem>>) target_semaphore(%arg16 : memref<!tpu.dma_semaphore, #tpu.memory_space<semaphore_mem>>)
      %dma_start3A_486 = arith.constant 0 : i32
      %dma_start3A_487 = tpu.memref_slice %arg14[%add3A_475, %dma_start3A_486] : memref<128x3xf32, #tpu.memory_space<vmem>> -> memref<1x3xf32, #tpu.memory_space<vmem>>
      %dma_start3A_488 = arith.constant 0 : i32
      %dma_start3A_489 = tpu.memref_slice %arg4[%squeeze3A_477, %dma_start3A_488] : memref<100000x3xf32, #tpu.memory_space<hbm>> -> memref<1x3xf32, #tpu.memory_space<hbm>>
      %dma_start3A_490 = arith.constant 0 : i32
      %dma_start3A_491 = tpu.memref_slice %arg14[%add3A_475, %dma_start3A_490] : memref<128x3xf32, #tpu.memory_space<vmem>> -> memref<1x3xf32, #tpu.memory_space<vmem>>
      %dma_start3A_492 = arith.constant 0 : i32
      %dma_start3A_493 = tpu.memref_slice %arg4[%squeeze3A_477, %dma_start3A_492] : memref<100000x3xf32, #tpu.memory_space<hbm>> -> memref<1x3xf32, #tpu.memory_space<hbm>>
      tpu.enqueue_dma source(%dma_start3A_493 : memref<1x3xf32, #tpu.memory_space<hbm>>) target(%dma_start3A_491 : memref<1x3xf32, #tpu.memory_space<vmem>>) target_semaphore(%arg16 : memref<!tpu.dma_semaphore, #tpu.memory_space<semaphore_mem>>)
      %dma_start3A_494 = arith.constant 0 : i32
      %dma_start3A_495 = tpu.memref_slice %arg15[%add3A_475, %dma_start3A_494] : memref<128x3xf32, #tpu.memory_space<vmem>> -> memref<1x3xf32, #tpu.memory_space<vmem>>
      %dma_start3A_496 = arith.constant 0 : i32
      %dma_start3A_497 = tpu.memref_slice %arg5[%squeeze3A_477, %dma_start3A_496] : memref<100000x3xf32, #tpu.memory_space<hbm>> -> memref<1x3xf32, #tpu.memory_space<hbm>>
      %dma_start3A_498 = arith.constant 0 : i32
      %dma_start3A_499 = tpu.memref_slice %arg15[%add3A_475, %dma_start3A_498] : memref<128x3xf32, #tpu.memory_space<vmem>> -> memref<1x3xf32, #tpu.memory_space<vmem>>
      %dma_start3A_500 = arith.constant 0 : i32
      %dma_start3A_501 = tpu.memref_slice %arg5[%squeeze3A_477, %dma_start3A_500] : memref<100000x3xf32, #tpu.memory_space<hbm>> -> memref<1x3xf32, #tpu.memory_space<hbm>>
      tpu.enqueue_dma source(%dma_start3A_501 : memref<1x3xf32, #tpu.memory_space<hbm>>) target(%dma_start3A_499 : memref<1x3xf32, #tpu.memory_space<vmem>>) target_semaphore(%arg16 : memref<!tpu.dma_semaphore, #tpu.memory_space<semaphore_mem>>)
      %dma_start3A_502 = arith.constant 0 : i32
      %dma_start3A_503 = tpu.memref_slice %arg12[%add3A_475, %dma_start3A_502] : memref<128x10xf32, #tpu.memory_space<vmem>> -> memref<1x10xf32, #tpu.memory_space<vmem>>
      %dma_start3A_504 = arith.constant 0 : i32
      %dma_start3A_505 = arith.constant 0 : i32
      %dma_start3A_506 = tpu.memref_slice %arg3[%dma_start3A_504, %dma_start3A_505] : memref<100000x10xf32, #tpu.memory_space<hbm>> -> memref<1x10xf32, #tpu.memory_space<hbm>>
      %dma_start3A_507 = arith.constant 0 : i32
      %dma_start3A_508 = tpu.memref_slice %arg12[%add3A_475, %dma_start3A_507] : memref<128x10xf32, #tpu.memory_space<vmem>> -> memref<1x10xf32, #tpu.memory_space<vmem>>
      %dma_start3A_509 = arith.constant 0 : i32
      %dma_start3A_510 = arith.constant 0 : i32
      %dma_start3A_511 = tpu.memref_slice %arg3[%dma_start3A_509, %dma_start3A_510] : memref<100000x10xf32, #tpu.memory_space<hbm>> -> memref<1x10xf32, #tpu.memory_space<hbm>>
      tpu.enqueue_dma source(%dma_start3A_511 : memref<1x10xf32, #tpu.memory_space<hbm>>) target(%dma_start3A_508 : memref<1x10xf32, #tpu.memory_space<vmem>>) target_semaphore(%arg16 : memref<!tpu.dma_semaphore, #tpu.memory_space<semaphore_mem>>)
      %mul3A_512 = arith.constant 16 : i32
      %mul3A_513 = arith.muli %scan3A_30, %mul3A_512 : i32
      %add3A_514 = arith.constant 12 : i32
      %add3A_515 = arith.addi %mul3A_513, %add3A_514 : i32
      %slice3A_516 = vector.extract_strided_slice %get3A_34 {offsets = [12], sizes = [1], strides = [1]} : vector<16xi32> to vector<1xi32>
      %squeeze3A_517 = vector.extract %slice3A_516[0] : i32 from vector<1xi32>
      %dma_start3A_518 = arith.constant 0 : i32
      %dma_start3A_519 = tpu.memref_slice %arg13[%add3A_515, %dma_start3A_518] : memref<128x69xf32, #tpu.memory_space<vmem>> -> memref<1x69xf32, #tpu.memory_space<vmem>>
      %dma_start3A_520 = arith.constant 0 : i32
      %dma_start3A_521 = tpu.memref_slice %arg6[%squeeze3A_517, %dma_start3A_520] : memref<100000x69xf32, #tpu.memory_space<hbm>> -> memref<1x69xf32, #tpu.memory_space<hbm>>
      %dma_start3A_522 = arith.constant 0 : i32
      %dma_start3A_523 = tpu.memref_slice %arg13[%add3A_515, %dma_start3A_522] : memref<128x69xf32, #tpu.memory_space<vmem>> -> memref<1x69xf32, #tpu.memory_space<vmem>>
      %dma_start3A_524 = arith.constant 0 : i32
      %dma_start3A_525 = tpu.memref_slice %arg6[%squeeze3A_517, %dma_start3A_524] : memref<100000x69xf32, #tpu.memory_space<hbm>> -> memref<1x69xf32, #tpu.memory_space<hbm>>
      tpu.enqueue_dma source(%dma_start3A_525 : memref<1x69xf32, #tpu.memory_space<hbm>>) target(%dma_start3A_523 : memref<1x69xf32, #tpu.memory_space<vmem>>) target_semaphore(%arg16 : memref<!tpu.dma_semaphore, #tpu.memory_space<semaphore_mem>>)
      %dma_start3A_526 = arith.constant 0 : i32
      %dma_start3A_527 = tpu.memref_slice %arg14[%add3A_515, %dma_start3A_526] : memref<128x3xf32, #tpu.memory_space<vmem>> -> memref<1x3xf32, #tpu.memory_space<vmem>>
      %dma_start3A_528 = arith.constant 0 : i32
      %dma_start3A_529 = tpu.memref_slice %arg4[%squeeze3A_517, %dma_start3A_528] : memref<100000x3xf32, #tpu.memory_space<hbm>> -> memref<1x3xf32, #tpu.memory_space<hbm>>
      %dma_start3A_530 = arith.constant 0 : i32
      %dma_start3A_531 = tpu.memref_slice %arg14[%add3A_515, %dma_start3A_530] : memref<128x3xf32, #tpu.memory_space<vmem>> -> memref<1x3xf32, #tpu.memory_space<vmem>>
      %dma_start3A_532 = arith.constant 0 : i32
      %dma_start3A_533 = tpu.memref_slice %arg4[%squeeze3A_517, %dma_start3A_532] : memref<100000x3xf32, #tpu.memory_space<hbm>> -> memref<1x3xf32, #tpu.memory_space<hbm>>
      tpu.enqueue_dma source(%dma_start3A_533 : memref<1x3xf32, #tpu.memory_space<hbm>>) target(%dma_start3A_531 : memref<1x3xf32, #tpu.memory_space<vmem>>) target_semaphore(%arg16 : memref<!tpu.dma_semaphore, #tpu.memory_space<semaphore_mem>>)
      %dma_start3A_534 = arith.constant 0 : i32
      %dma_start3A_535 = tpu.memref_slice %arg15[%add3A_515, %dma_start3A_534] : memref<128x3xf32, #tpu.memory_space<vmem>> -> memref<1x3xf32, #tpu.memory_space<vmem>>
      %dma_start3A_536 = arith.constant 0 : i32
      %dma_start3A_537 = tpu.memref_slice %arg5[%squeeze3A_517, %dma_start3A_536] : memref<100000x3xf32, #tpu.memory_space<hbm>> -> memref<1x3xf32, #tpu.memory_space<hbm>>
      %dma_start3A_538 = arith.constant 0 : i32
      %dma_start3A_539 = tpu.memref_slice %arg15[%add3A_515, %dma_start3A_538] : memref<128x3xf32, #tpu.memory_space<vmem>> -> memref<1x3xf32, #tpu.memory_space<vmem>>
      %dma_start3A_540 = arith.constant 0 : i32
      %dma_start3A_541 = tpu.memref_slice %arg5[%squeeze3A_517, %dma_start3A_540] : memref<100000x3xf32, #tpu.memory_space<hbm>> -> memref<1x3xf32, #tpu.memory_space<hbm>>
      tpu.enqueue_dma source(%dma_start3A_541 : memref<1x3xf32, #tpu.memory_space<hbm>>) target(%dma_start3A_539 : memref<1x3xf32, #tpu.memory_space<vmem>>) target_semaphore(%arg16 : memref<!tpu.dma_semaphore, #tpu.memory_space<semaphore_mem>>)
      %dma_start3A_542 = arith.constant 0 : i32
      %dma_start3A_543 = tpu.memref_slice %arg12[%add3A_515, %dma_start3A_542] : memref<128x10xf32, #tpu.memory_space<vmem>> -> memref<1x10xf32, #tpu.memory_space<vmem>>
      %dma_start3A_544 = arith.constant 0 : i32
      %dma_start3A_545 = arith.constant 0 : i32
      %dma_start3A_546 = tpu.memref_slice %arg3[%dma_start3A_544, %dma_start3A_545] : memref<100000x10xf32, #tpu.memory_space<hbm>> -> memref<1x10xf32, #tpu.memory_space<hbm>>
      %dma_start3A_547 = arith.constant 0 : i32
      %dma_start3A_548 = tpu.memref_slice %arg12[%add3A_515, %dma_start3A_547] : memref<128x10xf32, #tpu.memory_space<vmem>> -> memref<1x10xf32, #tpu.memory_space<vmem>>
      %dma_start3A_549 = arith.constant 0 : i32
      %dma_start3A_550 = arith.constant 0 : i32
      %dma_start3A_551 = tpu.memref_slice %arg3[%dma_start3A_549, %dma_start3A_550] : memref<100000x10xf32, #tpu.memory_space<hbm>> -> memref<1x10xf32, #tpu.memory_space<hbm>>
      tpu.enqueue_dma source(%dma_start3A_551 : memref<1x10xf32, #tpu.memory_space<hbm>>) target(%dma_start3A_548 : memref<1x10xf32, #tpu.memory_space<vmem>>) target_semaphore(%arg16 : memref<!tpu.dma_semaphore, #tpu.memory_space<semaphore_mem>>)
      %mul3A_552 = arith.constant 16 : i32
      %mul3A_553 = arith.muli %scan3A_30, %mul3A_552 : i32
      %add3A_554 = arith.constant 13 : i32
      %add3A_555 = arith.addi %mul3A_553, %add3A_554 : i32
      %slice3A_556 = vector.extract_strided_slice %get3A_34 {offsets = [13], sizes = [1], strides = [1]} : vector<16xi32> to vector<1xi32>
      %squeeze3A_557 = vector.extract %slice3A_556[0] : i32 from vector<1xi32>
      %dma_start3A_558 = arith.constant 0 : i32
      %dma_start3A_559 = tpu.memref_slice %arg13[%add3A_555, %dma_start3A_558] : memref<128x69xf32, #tpu.memory_space<vmem>> -> memref<1x69xf32, #tpu.memory_space<vmem>>
      %dma_start3A_560 = arith.constant 0 : i32
      %dma_start3A_561 = tpu.memref_slice %arg6[%squeeze3A_557, %dma_start3A_560] : memref<100000x69xf32, #tpu.memory_space<hbm>> -> memref<1x69xf32, #tpu.memory_space<hbm>>
      %dma_start3A_562 = arith.constant 0 : i32
      %dma_start3A_563 = tpu.memref_slice %arg13[%add3A_555, %dma_start3A_562] : memref<128x69xf32, #tpu.memory_space<vmem>> -> memref<1x69xf32, #tpu.memory_space<vmem>>
      %dma_start3A_564 = arith.constant 0 : i32
      %dma_start3A_565 = tpu.memref_slice %arg6[%squeeze3A_557, %dma_start3A_564] : memref<100000x69xf32, #tpu.memory_space<hbm>> -> memref<1x69xf32, #tpu.memory_space<hbm>>
      tpu.enqueue_dma source(%dma_start3A_565 : memref<1x69xf32, #tpu.memory_space<hbm>>) target(%dma_start3A_563 : memref<1x69xf32, #tpu.memory_space<vmem>>) target_semaphore(%arg16 : memref<!tpu.dma_semaphore, #tpu.memory_space<semaphore_mem>>)
      %dma_start3A_566 = arith.constant 0 : i32
      %dma_start3A_567 = tpu.memref_slice %arg14[%add3A_555, %dma_start3A_566] : memref<128x3xf32, #tpu.memory_space<vmem>> -> memref<1x3xf32, #tpu.memory_space<vmem>>
      %dma_start3A_568 = arith.constant 0 : i32
      %dma_start3A_569 = tpu.memref_slice %arg4[%squeeze3A_557, %dma_start3A_568] : memref<100000x3xf32, #tpu.memory_space<hbm>> -> memref<1x3xf32, #tpu.memory_space<hbm>>
      %dma_start3A_570 = arith.constant 0 : i32
      %dma_start3A_571 = tpu.memref_slice %arg14[%add3A_555, %dma_start3A_570] : memref<128x3xf32, #tpu.memory_space<vmem>> -> memref<1x3xf32, #tpu.memory_space<vmem>>
      %dma_start3A_572 = arith.constant 0 : i32
      %dma_start3A_573 = tpu.memref_slice %arg4[%squeeze3A_557, %dma_start3A_572] : memref<100000x3xf32, #tpu.memory_space<hbm>> -> memref<1x3xf32, #tpu.memory_space<hbm>>
      tpu.enqueue_dma source(%dma_start3A_573 : memref<1x3xf32, #tpu.memory_space<hbm>>) target(%dma_start3A_571 : memref<1x3xf32, #tpu.memory_space<vmem>>) target_semaphore(%arg16 : memref<!tpu.dma_semaphore, #tpu.memory_space<semaphore_mem>>)
      %dma_start3A_574 = arith.constant 0 : i32
      %dma_start3A_575 = tpu.memref_slice %arg15[%add3A_555, %dma_start3A_574] : memref<128x3xf32, #tpu.memory_space<vmem>> -> memref<1x3xf32, #tpu.memory_space<vmem>>
      %dma_start3A_576 = arith.constant 0 : i32
      %dma_start3A_577 = tpu.memref_slice %arg5[%squeeze3A_557, %dma_start3A_576] : memref<100000x3xf32, #tpu.memory_space<hbm>> -> memref<1x3xf32, #tpu.memory_space<hbm>>
      %dma_start3A_578 = arith.constant 0 : i32
      %dma_start3A_579 = tpu.memref_slice %arg15[%add3A_555, %dma_start3A_578] : memref<128x3xf32, #tpu.memory_space<vmem>> -> memref<1x3xf32, #tpu.memory_space<vmem>>
      %dma_start3A_580 = arith.constant 0 : i32
      %dma_start3A_581 = tpu.memref_slice %arg5[%squeeze3A_557, %dma_start3A_580] : memref<100000x3xf32, #tpu.memory_space<hbm>> -> memref<1x3xf32, #tpu.memory_space<hbm>>
      tpu.enqueue_dma source(%dma_start3A_581 : memref<1x3xf32, #tpu.memory_space<hbm>>) target(%dma_start3A_579 : memref<1x3xf32, #tpu.memory_space<vmem>>) target_semaphore(%arg16 : memref<!tpu.dma_semaphore, #tpu.memory_space<semaphore_mem>>)
      %dma_start3A_582 = arith.constant 0 : i32
      %dma_start3A_583 = tpu.memref_slice %arg12[%add3A_555, %dma_start3A_582] : memref<128x10xf32, #tpu.memory_space<vmem>> -> memref<1x10xf32, #tpu.memory_space<vmem>>
      %dma_start3A_584 = arith.constant 0 : i32
      %dma_start3A_585 = arith.constant 0 : i32
      %dma_start3A_586 = tpu.memref_slice %arg3[%dma_start3A_584, %dma_start3A_585] : memref<100000x10xf32, #tpu.memory_space<hbm>> -> memref<1x10xf32, #tpu.memory_space<hbm>>
      %dma_start3A_587 = arith.constant 0 : i32
      %dma_start3A_588 = tpu.memref_slice %arg12[%add3A_555, %dma_start3A_587] : memref<128x10xf32, #tpu.memory_space<vmem>> -> memref<1x10xf32, #tpu.memory_space<vmem>>
      %dma_start3A_589 = arith.constant 0 : i32
      %dma_start3A_590 = arith.constant 0 : i32
      %dma_start3A_591 = tpu.memref_slice %arg3[%dma_start3A_589, %dma_start3A_590] : memref<100000x10xf32, #tpu.memory_space<hbm>> -> memref<1x10xf32, #tpu.memory_space<hbm>>
      tpu.enqueue_dma source(%dma_start3A_591 : memref<1x10xf32, #tpu.memory_space<hbm>>) target(%dma_start3A_588 : memref<1x10xf32, #tpu.memory_space<vmem>>) target_semaphore(%arg16 : memref<!tpu.dma_semaphore, #tpu.memory_space<semaphore_mem>>)
      %mul3A_592 = arith.constant 16 : i32
      %mul3A_593 = arith.muli %scan3A_30, %mul3A_592 : i32
      %add3A_594 = arith.constant 14 : i32
      %add3A_595 = arith.addi %mul3A_593, %add3A_594 : i32
      %slice3A_596 = vector.extract_strided_slice %get3A_34 {offsets = [14], sizes = [1], strides = [1]} : vector<16xi32> to vector<1xi32>
      %squeeze3A_597 = vector.extract %slice3A_596[0] : i32 from vector<1xi32>
      %dma_start3A_598 = arith.constant 0 : i32
      %dma_start3A_599 = tpu.memref_slice %arg13[%add3A_595, %dma_start3A_598] : memref<128x69xf32, #tpu.memory_space<vmem>> -> memref<1x69xf32, #tpu.memory_space<vmem>>
      %dma_start3A_600 = arith.constant 0 : i32
      %dma_start3A_601 = tpu.memref_slice %arg6[%squeeze3A_597, %dma_start3A_600] : memref<100000x69xf32, #tpu.memory_space<hbm>> -> memref<1x69xf32, #tpu.memory_space<hbm>>
      %dma_start3A_602 = arith.constant 0 : i32
      %dma_start3A_603 = tpu.memref_slice %arg13[%add3A_595, %dma_start3A_602] : memref<128x69xf32, #tpu.memory_space<vmem>> -> memref<1x69xf32, #tpu.memory_space<vmem>>
      %dma_start3A_604 = arith.constant 0 : i32
      %dma_start3A_605 = tpu.memref_slice %arg6[%squeeze3A_597, %dma_start3A_604] : memref<100000x69xf32, #tpu.memory_space<hbm>> -> memref<1x69xf32, #tpu.memory_space<hbm>>
      tpu.enqueue_dma source(%dma_start3A_605 : memref<1x69xf32, #tpu.memory_space<hbm>>) target(%dma_start3A_603 : memref<1x69xf32, #tpu.memory_space<vmem>>) target_semaphore(%arg16 : memref<!tpu.dma_semaphore, #tpu.memory_space<semaphore_mem>>)
      %dma_start3A_606 = arith.constant 0 : i32
      %dma_start3A_607 = tpu.memref_slice %arg14[%add3A_595, %dma_start3A_606] : memref<128x3xf32, #tpu.memory_space<vmem>> -> memref<1x3xf32, #tpu.memory_space<vmem>>
      %dma_start3A_608 = arith.constant 0 : i32
      %dma_start3A_609 = tpu.memref_slice %arg4[%squeeze3A_597, %dma_start3A_608] : memref<100000x3xf32, #tpu.memory_space<hbm>> -> memref<1x3xf32, #tpu.memory_space<hbm>>
      %dma_start3A_610 = arith.constant 0 : i32
      %dma_start3A_611 = tpu.memref_slice %arg14[%add3A_595, %dma_start3A_610] : memref<128x3xf32, #tpu.memory_space<vmem>> -> memref<1x3xf32, #tpu.memory_space<vmem>>
      %dma_start3A_612 = arith.constant 0 : i32
      %dma_start3A_613 = tpu.memref_slice %arg4[%squeeze3A_597, %dma_start3A_612] : memref<100000x3xf32, #tpu.memory_space<hbm>> -> memref<1x3xf32, #tpu.memory_space<hbm>>
      tpu.enqueue_dma source(%dma_start3A_613 : memref<1x3xf32, #tpu.memory_space<hbm>>) target(%dma_start3A_611 : memref<1x3xf32, #tpu.memory_space<vmem>>) target_semaphore(%arg16 : memref<!tpu.dma_semaphore, #tpu.memory_space<semaphore_mem>>)
      %dma_start3A_614 = arith.constant 0 : i32
      %dma_start3A_615 = tpu.memref_slice %arg15[%add3A_595, %dma_start3A_614] : memref<128x3xf32, #tpu.memory_space<vmem>> -> memref<1x3xf32, #tpu.memory_space<vmem>>
      %dma_start3A_616 = arith.constant 0 : i32
      %dma_start3A_617 = tpu.memref_slice %arg5[%squeeze3A_597, %dma_start3A_616] : memref<100000x3xf32, #tpu.memory_space<hbm>> -> memref<1x3xf32, #tpu.memory_space<hbm>>
      %dma_start3A_618 = arith.constant 0 : i32
      %dma_start3A_619 = tpu.memref_slice %arg15[%add3A_595, %dma_start3A_618] : memref<128x3xf32, #tpu.memory_space<vmem>> -> memref<1x3xf32, #tpu.memory_space<vmem>>
      %dma_start3A_620 = arith.constant 0 : i32
      %dma_start3A_621 = tpu.memref_slice %arg5[%squeeze3A_597, %dma_start3A_620] : memref<100000x3xf32, #tpu.memory_space<hbm>> -> memref<1x3xf32, #tpu.memory_space<hbm>>
      tpu.enqueue_dma source(%dma_start3A_621 : memref<1x3xf32, #tpu.memory_space<hbm>>) target(%dma_start3A_619 : memref<1x3xf32, #tpu.memory_space<vmem>>) target_semaphore(%arg16 : memref<!tpu.dma_semaphore, #tpu.memory_space<semaphore_mem>>)
      %dma_start3A_622 = arith.constant 0 : i32
      %dma_start3A_623 = tpu.memref_slice %arg12[%add3A_595, %dma_start3A_622] : memref<128x10xf32, #tpu.memory_space<vmem>> -> memref<1x10xf32, #tpu.memory_space<vmem>>
      %dma_start3A_624 = arith.constant 0 : i32
      %dma_start3A_625 = arith.constant 0 : i32
      %dma_start3A_626 = tpu.memref_slice %arg3[%dma_start3A_624, %dma_start3A_625] : memref<100000x10xf32, #tpu.memory_space<hbm>> -> memref<1x10xf32, #tpu.memory_space<hbm>>
      %dma_start3A_627 = arith.constant 0 : i32
      %dma_start3A_628 = tpu.memref_slice %arg12[%add3A_595, %dma_start3A_627] : memref<128x10xf32, #tpu.memory_space<vmem>> -> memref<1x10xf32, #tpu.memory_space<vmem>>
      %dma_start3A_629 = arith.constant 0 : i32
      %dma_start3A_630 = arith.constant 0 : i32
      %dma_start3A_631 = tpu.memref_slice %arg3[%dma_start3A_629, %dma_start3A_630] : memref<100000x10xf32, #tpu.memory_space<hbm>> -> memref<1x10xf32, #tpu.memory_space<hbm>>
      tpu.enqueue_dma source(%dma_start3A_631 : memref<1x10xf32, #tpu.memory_space<hbm>>) target(%dma_start3A_628 : memref<1x10xf32, #tpu.memory_space<vmem>>) target_semaphore(%arg16 : memref<!tpu.dma_semaphore, #tpu.memory_space<semaphore_mem>>)
      %mul3A_632 = arith.constant 16 : i32
      %mul3A_633 = arith.muli %scan3A_30, %mul3A_632 : i32
      %add3A_634 = arith.constant 15 : i32
      %add3A_635 = arith.addi %mul3A_633, %add3A_634 : i32
      %slice3A_636 = vector.extract_strided_slice %get3A_34 {offsets = [15], sizes = [1], strides = [1]} : vector<16xi32> to vector<1xi32>
      %squeeze3A_637 = vector.extract %slice3A_636[0] : i32 from vector<1xi32>
      %dma_start3A_638 = arith.constant 0 : i32
      %dma_start3A_639 = tpu.memref_slice %arg13[%add3A_635, %dma_start3A_638] : memref<128x69xf32, #tpu.memory_space<vmem>> -> memref<1x69xf32, #tpu.memory_space<vmem>>
      %dma_start3A_640 = arith.constant 0 : i32
      %dma_start3A_641 = tpu.memref_slice %arg6[%squeeze3A_637, %dma_start3A_640] : memref<100000x69xf32, #tpu.memory_space<hbm>> -> memref<1x69xf32, #tpu.memory_space<hbm>>
      %dma_start3A_642 = arith.constant 0 : i32
      %dma_start3A_643 = tpu.memref_slice %arg13[%add3A_635, %dma_start3A_642] : memref<128x69xf32, #tpu.memory_space<vmem>> -> memref<1x69xf32, #tpu.memory_space<vmem>>
      %dma_start3A_644 = arith.constant 0 : i32
      %dma_start3A_645 = tpu.memref_slice %arg6[%squeeze3A_637, %dma_start3A_644] : memref<100000x69xf32, #tpu.memory_space<hbm>> -> memref<1x69xf32, #tpu.memory_space<hbm>>
      tpu.enqueue_dma source(%dma_start3A_645 : memref<1x69xf32, #tpu.memory_space<hbm>>) target(%dma_start3A_643 : memref<1x69xf32, #tpu.memory_space<vmem>>) target_semaphore(%arg16 : memref<!tpu.dma_semaphore, #tpu.memory_space<semaphore_mem>>)
      %dma_start3A_646 = arith.constant 0 : i32
      %dma_start3A_647 = tpu.memref_slice %arg14[%add3A_635, %dma_start3A_646] : memref<128x3xf32, #tpu.memory_space<vmem>> -> memref<1x3xf32, #tpu.memory_space<vmem>>
      %dma_start3A_648 = arith.constant 0 : i32
      %dma_start3A_649 = tpu.memref_slice %arg4[%squeeze3A_637, %dma_start3A_648] : memref<100000x3xf32, #tpu.memory_space<hbm>> -> memref<1x3xf32, #tpu.memory_space<hbm>>
      %dma_start3A_650 = arith.constant 0 : i32
      %dma_start3A_651 = tpu.memref_slice %arg14[%add3A_635, %dma_start3A_650] : memref<128x3xf32, #tpu.memory_space<vmem>> -> memref<1x3xf32, #tpu.memory_space<vmem>>
      %dma_start3A_652 = arith.constant 0 : i32
      %dma_start3A_653 = tpu.memref_slice %arg4[%squeeze3A_637, %dma_start3A_652] : memref<100000x3xf32, #tpu.memory_space<hbm>> -> memref<1x3xf32, #tpu.memory_space<hbm>>
      tpu.enqueue_dma source(%dma_start3A_653 : memref<1x3xf32, #tpu.memory_space<hbm>>) target(%dma_start3A_651 : memref<1x3xf32, #tpu.memory_space<vmem>>) target_semaphore(%arg16 : memref<!tpu.dma_semaphore, #tpu.memory_space<semaphore_mem>>)
      %dma_start3A_654 = arith.constant 0 : i32
      %dma_start3A_655 = tpu.memref_slice %arg15[%add3A_635, %dma_start3A_654] : memref<128x3xf32, #tpu.memory_space<vmem>> -> memref<1x3xf32, #tpu.memory_space<vmem>>
      %dma_start3A_656 = arith.constant 0 : i32
      %dma_start3A_657 = tpu.memref_slice %arg5[%squeeze3A_637, %dma_start3A_656] : memref<100000x3xf32, #tpu.memory_space<hbm>> -> memref<1x3xf32, #tpu.memory_space<hbm>>
      %dma_start3A_658 = arith.constant 0 : i32
      %dma_start3A_659 = tpu.memref_slice %arg15[%add3A_635, %dma_start3A_658] : memref<128x3xf32, #tpu.memory_space<vmem>> -> memref<1x3xf32, #tpu.memory_space<vmem>>
      %dma_start3A_660 = arith.constant 0 : i32
      %dma_start3A_661 = tpu.memref_slice %arg5[%squeeze3A_637, %dma_start3A_660] : memref<100000x3xf32, #tpu.memory_space<hbm>> -> memref<1x3xf32, #tpu.memory_space<hbm>>
      tpu.enqueue_dma source(%dma_start3A_661 : memref<1x3xf32, #tpu.memory_space<hbm>>) target(%dma_start3A_659 : memref<1x3xf32, #tpu.memory_space<vmem>>) target_semaphore(%arg16 : memref<!tpu.dma_semaphore, #tpu.memory_space<semaphore_mem>>)
      %dma_start3A_662 = arith.constant 0 : i32
      %dma_start3A_663 = tpu.memref_slice %arg12[%add3A_635, %dma_start3A_662] : memref<128x10xf32, #tpu.memory_space<vmem>> -> memref<1x10xf32, #tpu.memory_space<vmem>>
      %dma_start3A_664 = arith.constant 0 : i32
      %dma_start3A_665 = arith.constant 0 : i32
      %dma_start3A_666 = tpu.memref_slice %arg3[%dma_start3A_664, %dma_start3A_665] : memref<100000x10xf32, #tpu.memory_space<hbm>> -> memref<1x10xf32, #tpu.memory_space<hbm>>
      %dma_start3A_667 = arith.constant 0 : i32
      %dma_start3A_668 = tpu.memref_slice %arg12[%add3A_635, %dma_start3A_667] : memref<128x10xf32, #tpu.memory_space<vmem>> -> memref<1x10xf32, #tpu.memory_space<vmem>>
      %dma_start3A_669 = arith.constant 0 : i32
      %dma_start3A_670 = arith.constant 0 : i32
      %dma_start3A_671 = tpu.memref_slice %arg3[%dma_start3A_669, %dma_start3A_670] : memref<100000x10xf32, #tpu.memory_space<hbm>> -> memref<1x10xf32, #tpu.memory_space<hbm>>
      tpu.enqueue_dma source(%dma_start3A_671 : memref<1x10xf32, #tpu.memory_space<hbm>>) target(%dma_start3A_668 : memref<1x10xf32, #tpu.memory_space<vmem>>) target_semaphore(%arg16 : memref<!tpu.dma_semaphore, #tpu.memory_space<semaphore_mem>>)
    }
    %scan3A_6 = arith.constant 8 : i32
    %dma_wait3A = arith.constant 0 : i32
    %dma_wait3A_7 = arith.constant 0 : i32
    %dma_wait3A_8 = tpu.memref_slice %arg6[%dma_wait3A, %dma_wait3A_7] : memref<100000x69xf32, #tpu.memory_space<hbm>> -> memref<128x69xf32, #tpu.memory_space<hbm>>
    %dma_wait3A_9 = arith.constant 0 : i32
    %dma_wait3A_10 = arith.constant 0 : i32
    %dma_wait3A_11 = tpu.memref_slice %arg6[%dma_wait3A_9, %dma_wait3A_10] : memref<100000x69xf32, #tpu.memory_space<hbm>> -> memref<128x69xf32, #tpu.memory_space<hbm>>
    tpu.wait_dma2 semaphore(%arg16 : memref<!tpu.dma_semaphore, #tpu.memory_space<semaphore_mem>>) src(%dma_wait3A_11 : memref<128x69xf32, #tpu.memory_space<hbm>>) dst(%arg13 : memref<128x69xf32, #tpu.memory_space<vmem>>)
    %dma_wait3A_12 = arith.constant 0 : i32
    %dma_wait3A_13 = arith.constant 0 : i32
    %dma_wait3A_14 = tpu.memref_slice %arg4[%dma_wait3A_12, %dma_wait3A_13] : memref<100000x3xf32, #tpu.memory_space<hbm>> -> memref<128x3xf32, #tpu.memory_space<hbm>>
    %dma_wait3A_15 = arith.constant 0 : i32
    %dma_wait3A_16 = arith.constant 0 : i32
    %dma_wait3A_17 = tpu.memref_slice %arg4[%dma_wait3A_15, %dma_wait3A_16] : memref<100000x3xf32, #tpu.memory_space<hbm>> -> memref<128x3xf32, #tpu.memory_space<hbm>>
    tpu.wait_dma2 semaphore(%arg16 : memref<!tpu.dma_semaphore, #tpu.memory_space<semaphore_mem>>) src(%dma_wait3A_17 : memref<128x3xf32, #tpu.memory_space<hbm>>) dst(%arg14 : memref<128x3xf32, #tpu.memory_space<vmem>>)
    %dma_wait3A_18 = arith.constant 0 : i32
    %dma_wait3A_19 = arith.constant 0 : i32
    %dma_wait3A_20 = tpu.memref_slice %arg5[%dma_wait3A_18, %dma_wait3A_19] : memref<100000x3xf32, #tpu.memory_space<hbm>> -> memref<128x3xf32, #tpu.memory_space<hbm>>
    %dma_wait3A_21 = arith.constant 0 : i32
    %dma_wait3A_22 = arith.constant 0 : i32
    %dma_wait3A_23 = tpu.memref_slice %arg5[%dma_wait3A_21, %dma_wait3A_22] : memref<100000x3xf32, #tpu.memory_space<hbm>> -> memref<128x3xf32, #tpu.memory_space<hbm>>
    tpu.wait_dma2 semaphore(%arg16 : memref<!tpu.dma_semaphore, #tpu.memory_space<semaphore_mem>>) src(%dma_wait3A_23 : memref<128x3xf32, #tpu.memory_space<hbm>>) dst(%arg15 : memref<128x3xf32, #tpu.memory_space<vmem>>)
    %dma_wait3A_24 = arith.constant 0 : i32
    %dma_wait3A_25 = arith.constant 0 : i32
    %dma_wait3A_26 = tpu.memref_slice %arg3[%dma_wait3A_24, %dma_wait3A_25] : memref<100000x10xf32, #tpu.memory_space<hbm>> -> memref<128x10xf32, #tpu.memory_space<hbm>>
    %dma_wait3A_27 = arith.constant 0 : i32
    %dma_wait3A_28 = arith.constant 0 : i32
    %dma_wait3A_29 = tpu.memref_slice %arg3[%dma_wait3A_27, %dma_wait3A_28] : memref<100000x10xf32, #tpu.memory_space<hbm>> -> memref<128x10xf32, #tpu.memory_space<hbm>>
    tpu.wait_dma2 semaphore(%arg16 : memref<!tpu.dma_semaphore, #tpu.memory_space<semaphore_mem>>) src(%dma_wait3A_29 : memref<128x10xf32, #tpu.memory_space<hbm>>) dst(%arg12 : memref<128x10xf32, #tpu.memory_space<vmem>>)
    "tpu.region"() ({
      %run_scoped3A = tpu.sem_alloc : memref<!tpu.dma_semaphore, #tpu.memory_space<semaphore_mem>>
      %dma_start3A = arith.constant 0 : i32
      %dma_start3A_30 = tpu.memref_slice %arg8[%mul3A_2, %dma_start3A] : memref<4096x69xf32, #tpu.memory_space<hbm>> -> memref<128x69xf32, #tpu.memory_space<hbm>>
      %dma_start3A_31 = arith.constant 0 : i32
      %dma_start3A_32 = tpu.memref_slice %arg8[%mul3A_2, %dma_start3A_31] : memref<4096x69xf32, #tpu.memory_space<hbm>> -> memref<128x69xf32, #tpu.memory_space<hbm>>
      tpu.enqueue_dma source(%arg13 : memref<128x69xf32, #tpu.memory_space<vmem>>) target(%dma_start3A_32 : memref<128x69xf32, #tpu.memory_space<hbm>>) target_semaphore(%run_scoped3A : memref<!tpu.dma_semaphore, #tpu.memory_space<semaphore_mem>>)
      %dma_wait3A_33 = arith.constant 0 : i32
      %dma_wait3A_34 = tpu.memref_slice %arg8[%mul3A_2, %dma_wait3A_33] : memref<4096x69xf32, #tpu.memory_space<hbm>> -> memref<128x69xf32, #tpu.memory_space<hbm>>
      %dma_wait3A_35 = arith.constant 0 : i32
      %dma_wait3A_36 = tpu.memref_slice %arg8[%mul3A_2, %dma_wait3A_35] : memref<4096x69xf32, #tpu.memory_space<hbm>> -> memref<128x69xf32, #tpu.memory_space<hbm>>
      tpu.wait_dma2 semaphore(%run_scoped3A : memref<!tpu.dma_semaphore, #tpu.memory_space<semaphore_mem>>) src(%arg13 : memref<128x69xf32, #tpu.memory_space<vmem>>) dst(%dma_wait3A_36 : memref<128x69xf32, #tpu.memory_space<hbm>>)
      tpu.yield
    }) : () -> ()
    "tpu.region"() ({
      %run_scoped3A = tpu.sem_alloc : memref<!tpu.dma_semaphore, #tpu.memory_space<semaphore_mem>>
      %dma_start3A = arith.constant 0 : i32
      %dma_start3A_30 = tpu.memref_slice %arg9[%mul3A_2, %dma_start3A] : memref<4096x3xf32, #tpu.memory_space<hbm>> -> memref<128x3xf32, #tpu.memory_space<hbm>>
      %dma_start3A_31 = arith.constant 0 : i32
      %dma_start3A_32 = tpu.memref_slice %arg9[%mul3A_2, %dma_start3A_31] : memref<4096x3xf32, #tpu.memory_space<hbm>> -> memref<128x3xf32, #tpu.memory_space<hbm>>
      tpu.enqueue_dma source(%arg14 : memref<128x3xf32, #tpu.memory_space<vmem>>) target(%dma_start3A_32 : memref<128x3xf32, #tpu.memory_space<hbm>>) target_semaphore(%run_scoped3A : memref<!tpu.dma_semaphore, #tpu.memory_space<semaphore_mem>>)
      %dma_wait3A_33 = arith.constant 0 : i32
      %dma_wait3A_34 = tpu.memref_slice %arg9[%mul3A_2, %dma_wait3A_33] : memref<4096x3xf32, #tpu.memory_space<hbm>> -> memref<128x3xf32, #tpu.memory_space<hbm>>
      %dma_wait3A_35 = arith.constant 0 : i32
      %dma_wait3A_36 = tpu.memref_slice %arg9[%mul3A_2, %dma_wait3A_35] : memref<4096x3xf32, #tpu.memory_space<hbm>> -> memref<128x3xf32, #tpu.memory_space<hbm>>
      tpu.wait_dma2 semaphore(%run_scoped3A : memref<!tpu.dma_semaphore, #tpu.memory_space<semaphore_mem>>) src(%arg14 : memref<128x3xf32, #tpu.memory_space<vmem>>) dst(%dma_wait3A_36 : memref<128x3xf32, #tpu.memory_space<hbm>>)
      tpu.yield
    }) : () -> ()
    "tpu.region"() ({
      %run_scoped3A = tpu.sem_alloc : memref<!tpu.dma_semaphore, #tpu.memory_space<semaphore_mem>>
      %dma_start3A = arith.constant 0 : i32
      %dma_start3A_30 = tpu.memref_slice %arg10[%mul3A_2, %dma_start3A] : memref<4096x3xf32, #tpu.memory_space<hbm>> -> memref<128x3xf32, #tpu.memory_space<hbm>>
      %dma_start3A_31 = arith.constant 0 : i32
      %dma_start3A_32 = tpu.memref_slice %arg10[%mul3A_2, %dma_start3A_31] : memref<4096x3xf32, #tpu.memory_space<hbm>> -> memref<128x3xf32, #tpu.memory_space<hbm>>
      tpu.enqueue_dma source(%arg15 : memref<128x3xf32, #tpu.memory_space<vmem>>) target(%dma_start3A_32 : memref<128x3xf32, #tpu.memory_space<hbm>>) target_semaphore(%run_scoped3A : memref<!tpu.dma_semaphore, #tpu.memory_space<semaphore_mem>>)
      %dma_wait3A_33 = arith.constant 0 : i32
      %dma_wait3A_34 = tpu.memref_slice %arg10[%mul3A_2, %dma_wait3A_33] : memref<4096x3xf32, #tpu.memory_space<hbm>> -> memref<128x3xf32, #tpu.memory_space<hbm>>
      %dma_wait3A_35 = arith.constant 0 : i32
      %dma_wait3A_36 = tpu.memref_slice %arg10[%mul3A_2, %dma_wait3A_35] : memref<4096x3xf32, #tpu.memory_space<hbm>> -> memref<128x3xf32, #tpu.memory_space<hbm>>
      tpu.wait_dma2 semaphore(%run_scoped3A : memref<!tpu.dma_semaphore, #tpu.memory_space<semaphore_mem>>) src(%arg15 : memref<128x3xf32, #tpu.memory_space<vmem>>) dst(%dma_wait3A_36 : memref<128x3xf32, #tpu.memory_space<hbm>>)
      tpu.yield
    }) : () -> ()
    "tpu.region"() ({
      %run_scoped3A = tpu.sem_alloc : memref<!tpu.dma_semaphore, #tpu.memory_space<semaphore_mem>>
      %dma_start3A = arith.constant 0 : i32
      %dma_start3A_30 = tpu.memref_slice %arg7[%mul3A_2, %dma_start3A] : memref<4096x10xf32, #tpu.memory_space<hbm>> -> memref<128x10xf32, #tpu.memory_space<hbm>>
      %dma_start3A_31 = arith.constant 0 : i32
      %dma_start3A_32 = tpu.memref_slice %arg7[%mul3A_2, %dma_start3A_31] : memref<4096x10xf32, #tpu.memory_space<hbm>> -> memref<128x10xf32, #tpu.memory_space<hbm>>
      tpu.enqueue_dma source(%arg12 : memref<128x10xf32, #tpu.memory_space<vmem>>) target(%dma_start3A_32 : memref<128x10xf32, #tpu.memory_space<hbm>>) target_semaphore(%run_scoped3A : memref<!tpu.dma_semaphore, #tpu.memory_space<semaphore_mem>>)
      %dma_wait3A_33 = arith.constant 0 : i32
      %dma_wait3A_34 = tpu.memref_slice %arg7[%mul3A_2, %dma_wait3A_33] : memref<4096x10xf32, #tpu.memory_space<hbm>> -> memref<128x10xf32, #tpu.memory_space<hbm>>
      %dma_wait3A_35 = arith.constant 0 : i32
      %dma_wait3A_36 = tpu.memref_slice %arg7[%mul3A_2, %dma_wait3A_35] : memref<4096x10xf32, #tpu.memory_space<hbm>> -> memref<128x10xf32, #tpu.memory_space<hbm>>
      tpu.wait_dma2 semaphore(%run_scoped3A : memref<!tpu.dma_semaphore, #tpu.memory_space<semaphore_mem>>) src(%arg12 : memref<128x10xf32, #tpu.memory_space<vmem>>) dst(%dma_wait3A_36 : memref<128x10xf32, #tpu.memory_space<hbm>>)
      tpu.yield
    }) : () -> ()
    return
  }
}

</mosaic_0001>

<sc_bundles>
// kernel: kernel.3.cloned.1.call-start
scs
__scs_entry_jumppad:
0x0: {  	(pc) =	sbr.rel $0x88, $3  }
0x1: {  	(tag) =	ssettag $0x0;
	lr =	simm.s32 $0x1  }
0x2: {  	[smem:$0x3F9C] =	sst lr;
	_ =	strace $0xD0000000  }
0x3: {  	_ = 	snop  }
0x4: {  	_ = 	snop  }
0x5: {  	_ = 	snop  }
0x6: {  	_ = 	snop  }
0x7: {  	_ = 	snop  }
__scs_overlays_trampoline_lowered:
0x8: {  	[smem:$0x3FAB] =	sst s0  }
0x9: {  	[smem:$0x3FAC] =	sst s1  }
0xa: {  	[smem:$0x3FAD] =	sst s2  }
0xb: {  	[smem:$0x3FAE] =	sst s3  }
0xc: {  	[smem:$0x3FAF] =	sst s4  }
0xd: {  	[smem:$0x3FB0] =	sst s5  }
0xe: {  	[smem:$0x3FB1] =	sst s6  }
0xf: {  	[smem:$0x3FB2] =	sst s7  }
0x10: {  	[smem:$0x3FB3] =	sst s8  }
0x11: {  	[smem:$0x3FB4] =	sst s9;
	s0 =	simm.s32 @!p0 $0x0  }
0x12: {  	s1 =	sld [smem:$0x3F9A];
	s0 =	simm.s32 @p0 $0x1  }
0x13: {  	[smem:$0x3FB5] =	sst s0;
	s0 =	simm.s32 @!p1 $0x0  }
0x14: {  	s2 =	sld [smem:$0x3F99];
	s0 =	simm.s32 @p1 $0x1  }
0x15: {  	[smem:$0x3FB6] =	sst s0;
	s0 =	simm.s32 @!p2 $0x0  }
0x16: {  	s3 =	sld [smem:$0x3FDB];
	s0 =	simm.s32 @p2 $0x1  }
0x17: {  	s4 =	simm.s32 $0x1BF5;
	[smem:$0x3FB8] =	sst s0  }
0x18: {  	s0 =	sld [smem:$0x3F9B];
	_ =	swait.ge [sflag:s4], $0x0  }
0x19: {  	s7 =	sld [smem:$0x3F9C]  }
0x1a: {  	s8 =	sadd.s32 $0xFFFFE003, lr  }
0x1b: {  	s9 =	sadd.s32 $0xFFFFFEF7, lr;
	s5 =	simm.s32 $0xFFFFFFFF;
	p2 =	slt.u32 s8, $0xFFFFF086  }
0x1c: {  	p1 =	slt.u32 s9, $0xF7A;
	s5 =	simm.s32 @!p2 $0x0  }
0x1d: {  	s5 =	simm.s32 @p1 $0x1;
	p0 =	seq.s32 s7, s2  }
0x1e: {  	s7 =	smul.u32 @!p0 $0xF7A, s2;
	p2 =	seq.s32 @!p0 s5, $0x0  }
0x1f: {  	s9 =	smul.u32 $0xF7A, s1;
	s8 =	simm.s32 @!p0 $0x1BF5;
	p2 =	por !p2, p0  }
0x20: {  	[sflag:s8] =	ssyncset.s32 @!p0 $0xFFFFF086;
	s6 =	sadd.s32 @!p0 s3, s7;
	s7 =	simm.s32 @!p0 $0x108  }
0x21: {  	s3 =	sadd.s32 s3, s9;
	s6 =	sadd.s32 @!p0 $0x88, s6;
	s7 =	simm.s32 @p2 $0x1082  }
0x22: {  	[simem:s7], [sflag:s8] =	dma.local @!p0 [hbm:s6], $0xF7A  }
0x23: {  	s9 =	sor.u32 $0xD0000000, s2;
	s6 =	simm.s32 $0x108;
	_ =	swait.ge @!p0 [sflag:s8], $0x0  }
0x24: {  	s3 =	sadd.s32 $0x88, s3;
	s6 =	simm.s32 @!p1 $0x1082;
	[sflag:s4] =	ssyncset.s32 $0xFFFFF086  }
0x25: {  	[simem:s6], [sflag:s4] =	dma.local [hbm:s3], $0xF7A  }
0x26: {  	[smem:$0x3F9C] =	sst s1;
	(tag) =	ssettag s2;
	_ =	strace s9  }
0x27: {  	s1 =	sld [smem:$0x3FAC]  }
0x28: {  	s2 =	sld [smem:$0x3FAD]  }
0x29: {  	s4 =	sld [smem:$0x3FAF]  }
0x2a: {  	p0 =	seq.s32 s5, $0x0;
	s5 =	sld [smem:$0x3FB0]  }
0x2b: {  	s6 =	sld [smem:$0x3FB1]  }
0x2c: {  	s7 =	sld [smem:$0x3FB2]  }
0x2d: {  	s3 =	simm.s32 $0x108;
	s8 =	sld [smem:$0x3FB3]  }
0x2e: {  	s3 =	simm.s32 @!p0 $0x1082;
	s9 =	sld [smem:$0x3FB4]  }
0x2f: {  	lr =	sadd.s32 s0, s3;
	s0 =	sld [smem:$0x3FAB]  }
0x30: {  	s3 =	sld [smem:$0x3FAE]  }
0x31: {  	[smem:$0x3FB7] =	sst s10  }
0x32: {  	s10 =	sld [smem:$0x3FB5];
	_ =	sdelay $0x3  }
0x33: {  	p0 =	seq.s32 s10, $0x1;
	s10 =	sld [smem:$0x3FB7];
	_ =	sdelay $0x3  }
0x34: {  	[smem:$0x3FB7] =	sst s10  }
0x35: {  	s10 =	sld [smem:$0x3FB6];
	_ =	sdelay $0x3  }
0x36: {  	p1 =	seq.s32 s10, $0x1;
	s10 =	sld [smem:$0x3FB7];
	_ =	sdelay $0x3  }
0x37: {  	[smem:$0x3FB7] =	sst s10  }
0x38: {  	s10 =	sld [smem:$0x3FB8]  }
0x39: {  	_ = 	snop;
	(pc) =	sbr.ind lr, $3  }
0x3a: {  	_ = 	snop  }
0x3b: {  	_ = 	snop  }
0x3c: {  	p2 =	seq.s32 s10, $0x1;
	s10 =	sld [smem:$0x3FB7]  }
0x3d: {  	_ =	shalt  }
0x3e: {  	_ =	shalt  }
0x3f: {  	_ =	shalt  }
0x40: {  	_ =	shalt  }
0x41: {  	_ =	shalt  }
0x42: {  	_ =	shalt  }
0x43: {  	_ =	shalt  }
0x44: {  	_ =	shalt  }
0x45: {  	_ =	shalt  }
0x46: {  	_ =	shalt  }
0x47: {  	_ =	shalt  }
0x48: {  	_ =	shalt  }
0x49: {  	_ =	shalt  }
0x4a: {  	_ =	shalt  }
0x4b: {  	_ =	shalt  }
0x4c: {  	_ =	shalt  }
0x4d: {  	_ =	shalt  }
0x4e: {  	_ =	shalt  }
0x4f: {  	_ =	shalt  }
0x50: {  	_ =	shalt  }
0x51: {  	_ =	shalt  }
0x52: {  	_ =	shalt  }
0x53: {  	_ =	shalt  }
0x54: {  	_ =	shalt  }
0x55: {  	_ =	shalt  }
0x56: {  	_ =	shalt  }
0x57: {  	_ =	shalt  }
0x58: {  	_ =	shalt  }
0x59: {  	_ =	shalt  }
0x5a: {  	_ =	shalt  }
0x5b: {  	_ =	shalt  }
0x5c: {  	_ =	shalt  }
0x5d: {  	_ =	shalt  }
0x5e: {  	_ =	shalt  }
0x5f: {  	_ =	shalt  }
0x60: {  	_ =	shalt  }
0x61: {  	_ =	shalt  }
0x62: {  	_ =	shalt  }
0x63: {  	_ =	shalt  }
0x64: {  	_ =	shalt  }
0x65: {  	_ =	shalt  }
0x66: {  	_ =	shalt  }
0x67: {  	_ =	shalt  }
0x68: {  	_ =	shalt  }
0x69: {  	_ =	shalt  }
0x6a: {  	_ =	shalt  }
0x6b: {  	_ =	shalt  }
0x6c: {  	_ =	shalt  }
0x6d: {  	_ =	shalt  }
0x6e: {  	_ =	shalt  }
0x6f: {  	_ =	shalt  }
0x70: {  	_ =	shalt  }
0x71: {  	_ =	shalt  }
0x72: {  	_ =	shalt  }
0x73: {  	_ =	shalt  }
0x74: {  	_ =	shalt  }
0x75: {  	_ =	shalt  }
0x76: {  	_ =	shalt  }
0x77: {  	_ =	shalt  }
0x78: {  	_ =	shalt  }
0x79: {  	_ =	shalt  }
0x7a: {  	_ =	shalt  }
0x7b: {  	_ =	shalt  }
0x7c: {  	_ =	shalt  }
0x7d: {  	_ =	shalt  }
0x7e: {  	_ =	shalt  }
0x7f: {  	_ =	shalt  }
0x80: {  	_ =	shalt  }
0x81: {  	_ =	shalt  }
0x82: {  	_ =	shalt  }
0x83: {  	_ =	shalt  }
0x84: {  	_ =	shalt  }
0x85: {  	_ =	shalt  }
0x86: {  	_ =	shalt  }
0x87: {  	_ =	shalt  }
.Lfunc_end0:
.L_simem_size_0:
called_computation_lowered:
.L_overlay_start_0:
0x88: {  	s2 =	sld [smem:$0x3FD9]  }
0x89: {  	s3 =	sld [smem:$0x3FFE];
	_ =	sdelay $0x1  }
0x8a: {  	s1 =	srdreg.scid  }
0x8b: {  	s0 =	sand.u32 $0x1, s1  }
0x8c: {  	s17 =	sshll.u32 s0, $0xA;
	s2 =	sadd.s32 s3, s2  }
0x8d: {  	s2 =	sadd.s32 s2, s17  }
0x8e: {  	[smem:$0x3FC3] =	sst s2  }
0x8f: {  	_ = 	snop  }
0x90: {  	s2 =	sld [smem:$0x3FC9];
	(tm) =	ssettm $0x1  }
0x91: {  	s18 =	sld [smem:$0x3FFB];
	_ =	sdelay $0x3  }
0x92: {  	_ =	strace s18  }
0x93: {  	s3 =	sld [smem:$0x3FFC];
	_ =	sdelay $0x3  }
0x94: {  	_ =	strace s3  }
0x95: {  	s3 =	sld [smem:$0x3FFD];
	_ =	sdelay $0x3  }
0x96: {  	_ =	strace s3  }
0x97: {  	_ =	strace $0x8FFFFFFF  }
0x98: {  	s19 =	sld [smem:$0x3FDB];
	_ =	sdelay $0x1  }
0x99: {  	s4 =	simm.s32 $_scs_section_size  }
0x9a: {  	s5 =	simm.s32 $_size__tile_overlayer_lowered;
	s6 =	simm.s32 $_tile_overlayer_lowered  }
0x9b: {  	s22 =	simm.s32 $0x1BFF;
	s21 =	sshll.u32 s6, $0x1;
	s3 =	sadd.s32 s4, s19  }
0x9c: {  	s7 =	simm.s32 $0x0;
	s20 =	sshll.u32 s5, $0x1;
	s5 =	sadd.s32 s21, s3  }
0x9d: {  	[timem:s7], [sflag:s22] =	dma.local [hbm:s5], s20  }
0x9e: {  	_ =	swait.ge [sflag:s22], s20  }
0x9f: {  	s4 =	ssub.s32 $0x0, s20;
	[sflag:s22] =	ssyncset.done $0x0  }
0xa0: {  	[sflag:s22] =	ssyncadd.s32 s4;
	_ =	sdelay $0x1  }
0xa1: {  	s23 =	simm.s32 $0x1B8B  }
0xa2: {  	_ =	swait.ge [sflag:s23], $0x1  }
0xa3: {  	[sflag:s23] =	ssyncset.done $0x0  }
0xa4: {  	s25 =	simm.s32 $0x1B8E;
	s24 =	sld [smem:$0x3FFE];
	[sflag:s23] =	ssyncadd.s32 $0xFFFFFFFF  }
0xa5: {  	s26 =	simm.s32 $execute0_lowered;
	[smem:$0x3FD2] =	sst s25  }
0xa6: {  	s5 =	sshll.u32 s26, $0x1;
	_ =	strace $0x80000046;
	[dreg:$0x1] =	wrdreg $0xFFFFFFFF  }
0xa7: {  	s28 =	simm.s32 $_size_execute0_lowered;
	s3 =	sadd.s32 s3, s5;
	[dreg:$0x0] =	wrdreg $0x0  }
0xa8: {  	s5 =	sshll.u32 s28, $0x1;
	[dreg:$0x2] =	wrdreg s3  }
0xa9: {  	[dreg:$0x3] =	wrdreg s5  }
0xaa: {  	[dreg:$0x4] =	wrdreg $0xC0  }
0xab: {  	_ =	task [dreg:s7], $0x5FFFF  }
0xac: {  	[dreg:$0x1] =	wrdreg $0xFFFFFFFF  }
0xad: {  	[dreg:$0x0] =	wrdreg $0x60  }
0xae: {  	[dreg:$0x2] =	wrdreg s2  }
0xaf: {  	[dreg:$0x3] =	wrdreg s24  }
0xb0: {  	[dreg:$0x4] =	wrdreg $0x9  }
0xb1: {  	_ =	task.clear_ibuf [dreg:s7], $0x5FFFF;
	_ =	strace $0x90000046  }
0xb2: {  	s29 =	simm.s32 $0x9;
	_ =	strace $0x80000048  }
0xb3: {  	_ =	swait.ge [sflag:s29], $0x1  }
0xb4: {  	[sflag:s29] =	ssyncadd.s32 $0xFFFFFFFF  }
0xb5: {  	_ =	strace $0x90000048  }
0xb6: {  	_ =	sfence  }
0xb7: {  	s30 =	sld [smem:$0x0];
	_ =	sdelay $0x2  }
0xb8: {  	s31 =	sshll.u32 s1, $0xD;
	s1 =	sshrl.u32 s1, $0x2  }
0xb9: {  	s3 =	sand.u32 $0x4000, s31;
	s1 =	sadd.s32 s1, s30  }
0xba: {  	s0 =	sor.u32 s3, s0;
	s1 =	sshll.u32 s1, $0x11  }
0xbb: {  	s0 =	sor.u32 s1, s0  }
0xbc: {  	s0 =	sadd.s32 $0x8F2B, s0  }
0xbd: {  	[sflag:s0] =	ssyncadd.remote.s32 $0x1  }
0xbe: {  	_ =	sfence.sel $0xFFFF  }
0xbf: {  	[dreg:$0x0] =	wrdreg $0xFFFFFFFF;
	(pc) =	sbr.abs _section_cstart, $3  }
0xc0: {  	[dreg:$0x1] =	wrdreg $0xFFFFFFFF  }
0xc1: {  	_ =	task.clear_ibuf [dreg:s7], $0x2FFFF;
	_ =	strace $0x9FFFFFFF  }
0xc2: {  	(tm) =	ssettm $0x7FFFFFFF  }
0xc3: {  	_ =	shalt  }
tec
execute0_lowered:
.L_overlay_start_1:
0x0: {  	(tag) =	ssettag $0x1  }
0x1: {  	s0 =	rddreg [dreg:$0x0]  }
0x2: {  	s7 =	rddreg [dreg:$0x1]  }
0x3: {  	s2 =	simm.s32 $0x0;
	s3 =	srdreg.scid;
	s1 =	stileid.u32  }
0x4: {  	s13 =	simm.s32 $0x2;
	s14 =	simm.s32 $0x1;
	s17 =	simm.s32 $0xC080  }
0x5: {  	s18 =	simm.s32 $0x80;
	s19 =	simm.s32 $0x0;
	[smem:$0x7FF] =	sst s2  }
0x6: {  	s6 =	sand.u32 $0x1, s3;
	s5 =	sshll.u32 s1, $0x8;
	s3 =	sadd.s32 $0x2E00, s7  }
0x7: {  	s4 =	sadd.s32 $0x189800, s7;
	_ =	strace $0x80000047;
	s8 =	sshll.u32 s6, $0x7  }
0x8: {  	s10 =	ssub.s32 $0x2, s6;
	s6 =	sadd.s32 $0x496C00, s7;
	s8 =	sor.u32 s8, s5  }
0x9: {  	s5 =	sadd.s32 $0x310200, s7;
	s31 =	sshrl.u32 s10, $0x1;
	s9 =	sshll.u32 s8, $0x4  }
0xa: {  	s12 =	ssub.s32 s10, s31;
	s8 =	sshrl.u32 s8, $0x3;
	s11 =	sadd.s32 s9, s7  }
0xb: {  	s8 =	sadd.s32 s0, s8;
	s7 =	sadd.s32 $0x64D600, s11;
	s9 =	sadd.s32 $0x62D600, s11  }
0xc: {  	s12 =	smax.u32 s12, $0x1;
	s10 =	sadd.s32 $0x63D600, s11;
	s11 =	sadd.s32 $0x61D600, s11  }
.LBB2_1:
0xd: {  	[tilespmem:s2], [sflag:$0x2] =	stream.linear.gather [hbm4b:s8+s2], $0x80, $0x38;
	[tilespmem:$0x10080] =	vst v63  }
0xe: {  	_ =	swait.ge [sflag:s13], $0x80  }
0xf: {  	[sflag:s13] =	ssyncset.done $0x0  }
0x10: {  	[sflag:s13] =	ssyncadd.s32 $0xFFFFFF80  }
0x11: {  	v0 =	vld [tilespmem:s2+$0x0];
	_ =	sdelay $0x4  }
0x12: {  	v0 =	vshll.u32 v0, $0x4  }
0x13: {  	(v2sf) =	vpush v0, $0x0;
	_ =	sdelay $0x5  }
0x14: {  	(v2sf) =	vpush v0, $0x1;
	_ =	sdelay $0x7  }
0x15: {  	(v2sf) =	vpush v0, $0x2  }
0x16: {  	s0 =	spop (v2sf)  }
0x17: {  	s0 =	sand.u32 $0x1FFFFFF0, s0  }
0x18: {  	s20 =	simm.s32 $0x4080;
	s21 =	sadd.s32 s6, s0  }
0x19: {  	[tilespmem:s20], [sflag:$0x1] =	stream.linear.gather [hbm4b:s21+s2], $0x80, $0x38;
	[tilespmem:$0x10080] =	vst v63  }
0x1a: {  	s15 =	simm.s32 $0x8080;
	s16 =	sadd.s32 s4, s0  }
0x1b: {  	[tilespmem:s15], [sflag:$0x1] =	stream.linear.gather [hbm4b:s16+s2], $0x80, $0x38;
	[tilespmem:$0x10080] =	vst v63  }
0x1c: {  	s23 =	simm.s32 $0xC080;
	s22 =	spop (v2sf);
	s0 =	sadd.s32 s5, s0  }
0x1d: {  	(v2sf) =	vpush v0, $0x3;
	[tilespmem:s23], [sflag:$0x1] =	stream.linear.gather [hbm4b:s0+s2], $0x80, $0x38;
	[tilespmem:$0x10080] =	vst v63  }
0x1e: {  	s24 =	simm.s32 $0x80;
	s20 =	sand.u32 $0x1FFFFFF0, s22  }
0x1f: {  	[tilespmem:s24], [sflag:$0x1] =	stream.linear.gather [hbm4b:s3+s2], $0x80, $0x38;
	[tilespmem:$0x10080] =	vst v63  }
0x20: {  	s25 =	simm.s32 $0x4100;
	s26 =	sadd.s32 s6, s20  }
0x21: {  	[tilespmem:s25], [sflag:$0x1] =	stream.linear.gather [hbm4b:s26+s2], $0x80, $0x38;
	[tilespmem:$0x10080] =	vst v63  }
0x22: {  	s28 =	simm.s32 $0x8100;
	s29 =	sadd.s32 s4, s20  }
0x23: {  	[tilespmem:s28], [sflag:$0x1] =	stream.linear.gather [hbm4b:s29+s2], $0x80, $0x38;
	[tilespmem:$0x10080] =	vst v63  }
0x24: {  	s31 =	simm.s32 $0xC100;
	s30 =	spop (v2sf);
	s20 =	sadd.s32 s5, s20  }
0x25: {  	(v2sf) =	vpush v0, $0x4;
	[tilespmem:s31], [sflag:$0x1] =	stream.linear.gather [hbm4b:s20+s2], $0x80, $0x38;
	[tilespmem:$0x10080] =	vst v63  }
0x26: {  	s1 =	simm.s32 $0x100;
	s0 =	sand.u32 $0x1FFFFFF0, s30  }
0x27: {  	[tilespmem:s1], [sflag:$0x1] =	stream.linear.gather [hbm4b:s3+s2], $0x80, $0x38;
	[tilespmem:$0x10080] =	vst v63  }
0x28: {  	s15 =	simm.s32 $0x4180;
	s16 =	sadd.s32 s6, s0  }
0x29: {  	[tilespmem:s15], [sflag:$0x1] =	stream.linear.gather [hbm4b:s16+s2], $0x80, $0x38;
	[tilespmem:$0x10080] =	vst v63  }
0x2a: {  	s22 =	simm.s32 $0x8180;
	s23 =	sadd.s32 s4, s0  }
0x2b: {  	[tilespmem:s22], [sflag:$0x1] =	stream.linear.gather [hbm4b:s23+s2], $0x80, $0x38;
	[tilespmem:$0x10080] =	vst v63  }
0x2c: {  	s0 =	sadd.s32 s5, s0;
	s25 =	simm.s32 $0xC180;
	s24 =	spop (v2sf)  }
0x2d: {  	(v2sf) =	vpush v0, $0x5;
	[tilespmem:s25], [sflag:$0x1] =	stream.linear.gather [hbm4b:s0+s2], $0x80, $0x38;
	[tilespmem:$0x10080] =	vst v63  }
0x2e: {  	s28 =	simm.s32 $0x180;
	s26 =	sand.u32 $0x1FFFFFF0, s24  }
0x2f: {  	[tilespmem:s28], [sflag:$0x1] =	stream.linear.gather [hbm4b:s3+s2], $0x80, $0x38;
	[tilespmem:$0x10080] =	vst v63  }
0x30: {  	s29 =	simm.s32 $0x4200;
	s30 =	sadd.s32 s6, s26  }
0x31: {  	[tilespmem:s29], [sflag:$0x1] =	stream.linear.gather [hbm4b:s30+s2], $0x80, $0x38;
	[tilespmem:$0x10080] =	vst v63  }
0x32: {  	s31 =	simm.s32 $0x8200;
	s1 =	sadd.s32 s4, s26  }
0x33: {  	[tilespmem:s31], [sflag:$0x1] =	stream.linear.gather [hbm4b:s1+s2], $0x80, $0x38;
	[tilespmem:$0x10080] =	vst v63  }
0x34: {  	s15 =	spop (v2sf);
	s16 =	simm.s32 $0xC200;
	s0 =	sadd.s32 s5, s26  }
0x35: {  	(v2sf) =	vpush v0, $0x6;
	[tilespmem:s16], [sflag:$0x1] =	stream.linear.gather [hbm4b:s0+s2], $0x80, $0x38;
	[tilespmem:$0x10080] =	vst v63  }
0x36: {  	s22 =	sand.u32 $0x1FFFFFF0, s15;
	s23 =	simm.s32 $0x200  }
0x37: {  	[tilespmem:s23], [sflag:$0x1] =	stream.linear.gather [hbm4b:s3+s2], $0x80, $0x38;
	[tilespmem:$0x10080] =	vst v63  }
0x38: {  	s24 =	simm.s32 $0x4280;
	s25 =	sadd.s32 s6, s22  }
0x39: {  	[tilespmem:s24], [sflag:$0x1] =	stream.linear.gather [hbm4b:s25+s2], $0x80, $0x38;
	[tilespmem:$0x10080] =	vst v63  }
0x3a: {  	s26 =	simm.s32 $0x8280;
	s28 =	sadd.s32 s4, s22  }
0x3b: {  	[tilespmem:s26], [sflag:$0x1] =	stream.linear.gather [hbm4b:s28+s2], $0x80, $0x38;
	[tilespmem:$0x10080] =	vst v63  }
0x3c: {  	s30 =	simm.s32 $0xC280;
	s29 =	spop (v2sf);
	s0 =	sadd.s32 s5, s22  }
0x3d: {  	(v2sf) =	vpush v0, $0x7;
	[tilespmem:s30], [sflag:$0x1] =	stream.linear.gather [hbm4b:s0+s2], $0x80, $0x38;
	[tilespmem:$0x10080] =	vst v63  }
0x3e: {  	s1 =	simm.s32 $0x280;
	s31 =	sand.u32 $0x1FFFFFF0, s29  }
0x3f: {  	[tilespmem:s1], [sflag:$0x1] =	stream.linear.gather [hbm4b:s3+s2], $0x80, $0x38;
	[tilespmem:$0x10080] =	vst v63  }
0x40: {  	s15 =	simm.s32 $0x4300;
	s16 =	sadd.s32 s6, s31  }
0x41: {  	[tilespmem:s15], [sflag:$0x1] =	stream.linear.gather [hbm4b:s16+s2], $0x80, $0x38;
	[tilespmem:$0x10080] =	vst v63  }
0x42: {  	s22 =	simm.s32 $0x8300;
	s23 =	sadd.s32 s4, s31  }
0x43: {  	[tilespmem:s22], [sflag:$0x1] =	stream.linear.gather [hbm4b:s23+s2], $0x80, $0x38;
	[tilespmem:$0x10080] =	vst v63  }
0x44: {  	s24 =	spop (v2sf);
	s25 =	simm.s32 $0xC300;
	s0 =	sadd.s32 s5, s31  }
0x45: {  	(v2sf) =	vpush v0, $0x8;
	[tilespmem:s25], [sflag:$0x1] =	stream.linear.gather [hbm4b:s0+s2], $0x80, $0x38;
	[tilespmem:$0x10080] =	vst v63  }
0x46: {  	s26 =	sand.u32 $0x1FFFFFF0, s24;
	s28 =	simm.s32 $0x300  }
0x47: {  	[tilespmem:s28], [sflag:$0x1] =	stream.linear.gather [hbm4b:s3+s2], $0x80, $0x38;
	[tilespmem:$0x10080] =	vst v63  }
0x48: {  	s29 =	simm.s32 $0x4380;
	s30 =	sadd.s32 s6, s26  }
0x49: {  	[tilespmem:s29], [sflag:$0x1] =	stream.linear.gather [hbm4b:s30+s2], $0x80, $0x38;
	[tilespmem:$0x10080] =	vst v63  }
0x4a: {  	s31 =	simm.s32 $0x8380;
	s1 =	sadd.s32 s4, s26  }
0x4b: {  	[tilespmem:s31], [sflag:$0x1] =	stream.linear.gather [hbm4b:s1+s2], $0x80, $0x38;
	[tilespmem:$0x10080] =	vst v63  }
0x4c: {  	s16 =	simm.s32 $0xC380;
	s15 =	spop (v2sf);
	s0 =	sadd.s32 s5, s26  }
0x4d: {  	(v2sf) =	vpush v0, $0x9;
	[tilespmem:s16], [sflag:$0x1] =	stream.linear.gather [hbm4b:s0+s2], $0x80, $0x38;
	[tilespmem:$0x10080] =	vst v63  }
0x4e: {  	s23 =	simm.s32 $0x380;
	s22 =	sand.u32 $0x1FFFFFF0, s15  }
0x4f: {  	[tilespmem:s23], [sflag:$0x1] =	stream.linear.gather [hbm4b:s3+s2], $0x80, $0x38;
	[tilespmem:$0x10080] =	vst v63  }
0x50: {  	s24 =	simm.s32 $0x4400;
	s25 =	sadd.s32 s6, s22  }
0x51: {  	[tilespmem:s24], [sflag:$0x1] =	stream.linear.gather [hbm4b:s25+s2], $0x80, $0x38;
	[tilespmem:$0x10080] =	vst v63  }
0x52: {  	s26 =	simm.s32 $0x8400;
	s28 =	sadd.s32 s4, s22  }
0x53: {  	[tilespmem:s26], [sflag:$0x1] =	stream.linear.gather [hbm4b:s28+s2], $0x80, $0x38;
	[tilespmem:$0x10080] =	vst v63  }
0x54: {  	s29 =	spop (v2sf);
	s30 =	simm.s32 $0xC400;
	s0 =	sadd.s32 s5, s22  }
0x55: {  	(v2sf) =	vpush v0, $0xA;
	[tilespmem:s30], [sflag:$0x1] =	stream.linear.gather [hbm4b:s0+s2], $0x80, $0x38;
	[tilespmem:$0x10080] =	vst v63  }
0x56: {  	s31 =	sand.u32 $0x1FFFFFF0, s29;
	s1 =	simm.s32 $0x400  }
0x57: {  	[tilespmem:s1], [sflag:$0x1] =	stream.linear.gather [hbm4b:s3+s2], $0x80, $0x38;
	[tilespmem:$0x10080] =	vst v63  }
0x58: {  	s15 =	simm.s32 $0x4480;
	s16 =	sadd.s32 s6, s31  }
0x59: {  	[tilespmem:s15], [sflag:$0x1] =	stream.linear.gather [hbm4b:s16+s2], $0x80, $0x38;
	[tilespmem:$0x10080] =	vst v63  }
0x5a: {  	s22 =	simm.s32 $0x8480;
	s23 =	sadd.s32 s4, s31  }
0x5b: {  	[tilespmem:s22], [sflag:$0x1] =	stream.linear.gather [hbm4b:s23+s2], $0x80, $0x38;
	[tilespmem:$0x10080] =	vst v63  }
0x5c: {  	s25 =	simm.s32 $0xC480;
	s24 =	spop (v2sf);
	s0 =	sadd.s32 s5, s31  }
0x5d: {  	(v2sf) =	vpush v0, $0xB;
	[tilespmem:s25], [sflag:$0x1] =	stream.linear.gather [hbm4b:s0+s2], $0x80, $0x38;
	[tilespmem:$0x10080] =	vst v63  }
0x5e: {  	s26 =	sand.u32 $0x1FFFFFF0, s24;
	s28 =	simm.s32 $0x480  }
0x5f: {  	[tilespmem:s28], [sflag:$0x1] =	stream.linear.gather [hbm4b:s3+s2], $0x80, $0x38;
	[tilespmem:$0x10080] =	vst v63  }
0x60: {  	s29 =	simm.s32 $0x4500;
	s30 =	sadd.s32 s6, s26  }
0x61: {  	[tilespmem:s29], [sflag:$0x1] =	stream.linear.gather [hbm4b:s30+s2], $0x80, $0x38;
	[tilespmem:$0x10080] =	vst v63  }
0x62: {  	s31 =	simm.s32 $0x8500;
	s1 =	sadd.s32 s4, s26  }
0x63: {  	[tilespmem:s31], [sflag:$0x1] =	stream.linear.gather [hbm4b:s1+s2], $0x80, $0x38;
	[tilespmem:$0x10080] =	vst v63  }
0x64: {  	s15 =	spop (v2sf);
	s16 =	simm.s32 $0xC500;
	s0 =	sadd.s32 s5, s26  }
0x65: {  	(v2sf) =	vpush v0, $0xC;
	[tilespmem:s16], [sflag:$0x1] =	stream.linear.gather [hbm4b:s0+s2], $0x80, $0x38;
	[tilespmem:$0x10080] =	vst v63  }
0x66: {  	s22 =	sand.u32 $0x1FFFFFF0, s15;
	s23 =	simm.s32 $0x500  }
0x67: {  	[tilespmem:s23], [sflag:$0x1] =	stream.linear.gather [hbm4b:s3+s2], $0x80, $0x38;
	[tilespmem:$0x10080] =	vst v63  }
0x68: {  	s24 =	simm.s32 $0x4580;
	s25 =	sadd.s32 s6, s22  }
0x69: {  	[tilespmem:s24], [sflag:$0x1] =	stream.linear.gather [hbm4b:s25+s2], $0x80, $0x38;
	[tilespmem:$0x10080] =	vst v63  }
0x6a: {  	s26 =	simm.s32 $0x8580;
	s28 =	sadd.s32 s4, s22  }
0x6b: {  	[tilespmem:s26], [sflag:$0x1] =	stream.linear.gather [hbm4b:s28+s2], $0x80, $0x38;
	[tilespmem:$0x10080] =	vst v63  }
0x6c: {  	s29 =	spop (v2sf);
	s30 =	simm.s32 $0xC580;
	s0 =	sadd.s32 s5, s22  }
0x6d: {  	(v2sf) =	vpush v0, $0xD;
	[tilespmem:s30], [sflag:$0x1] =	stream.linear.gather [hbm4b:s0+s2], $0x80, $0x38;
	[tilespmem:$0x10080] =	vst v63  }
0x6e: {  	s31 =	sand.u32 $0x1FFFFFF0, s29;
	s1 =	simm.s32 $0x580  }
0x6f: {  	[tilespmem:s1], [sflag:$0x1] =	stream.linear.gather [hbm4b:s3+s2], $0x80, $0x38;
	[tilespmem:$0x10080] =	vst v63  }
0x70: {  	s15 =	simm.s32 $0x4600;
	s16 =	sadd.s32 s6, s31  }
0x71: {  	[tilespmem:s15], [sflag:$0x1] =	stream.linear.gather [hbm4b:s16+s2], $0x80, $0x38;
	[tilespmem:$0x10080] =	vst v63  }
0x72: {  	s21 =	simm.s32 $0x8600;
	s22 =	sadd.s32 s4, s31  }
0x73: {  	[tilespmem:s21], [sflag:$0x1] =	stream.linear.gather [hbm4b:s22+s2], $0x80, $0x38;
	[tilespmem:$0x10080] =	vst v63  }
0x74: {  	s23 =	spop (v2sf);
	s24 =	simm.s32 $0xC600;
	s0 =	sadd.s32 s5, s31  }
0x75: {  	(v2sf) =	vpush v0, $0xE;
	[tilespmem:s24], [sflag:$0x1] =	stream.linear.gather [hbm4b:s0+s2], $0x80, $0x38;
	[tilespmem:$0x10080] =	vst v63  }
0x76: {  	s25 =	sand.u32 $0x1FFFFFF0, s23;
	s26 =	simm.s32 $0x600  }
0x77: {  	[tilespmem:s26], [sflag:$0x1] =	stream.linear.gather [hbm4b:s3+s2], $0x80, $0x38;
	[tilespmem:$0x10080] =	vst v63  }
0x78: {  	s29 =	sadd.s32 s6, s25;
	s28 =	simm.s32 $0x4680  }
0x79: {  	[tilespmem:s28], [sflag:$0x1] =	stream.linear.gather [hbm4b:s29+s2], $0x80, $0x38;
	[tilespmem:$0x10080] =	vst v63  }
0x7a: {  	s30 =	simm.s32 $0x8680;
	s31 =	sadd.s32 s4, s25  }
0x7b: {  	[tilespmem:s30], [sflag:$0x1] =	stream.linear.gather [hbm4b:s31+s2], $0x80, $0x38;
	[tilespmem:$0x10080] =	vst v63  }
0x7c: {  	s1 =	spop (v2sf);
	s15 =	simm.s32 $0xC680;
	s0 =	sadd.s32 s5, s25  }
0x7d: {  	(v2sf) =	vpush v0, $0xF;
	[tilespmem:s15], [sflag:$0x1] =	stream.linear.gather [hbm4b:s0+s2], $0x80, $0x38;
	[tilespmem:$0x10080] =	vst v63  }
0x7e: {  	s16 =	sand.u32 $0x1FFFFFF0, s1;
	s21 =	simm.s32 $0x680  }
0x7f: {  	[tilespmem:s21], [sflag:$0x1] =	stream.linear.gather [hbm4b:s3+s2], $0x80, $0x38;
	[tilespmem:$0x10080] =	vst v63  }
0x80: {  	s23 =	sadd.s32 s6, s16;
	s22 =	simm.s32 $0x4700  }
0x81: {  	[tilespmem:s22], [sflag:$0x1] =	stream.linear.gather [hbm4b:s23+s2], $0x80, $0x38;
	[tilespmem:$0x10080] =	vst v63  }
0x82: {  	s24 =	simm.s32 $0x8700;
	s25 =	sadd.s32 s4, s16  }
0x83: {  	[tilespmem:s24], [sflag:$0x1] =	stream.linear.gather [hbm4b:s25+s2], $0x80, $0x38;
	[tilespmem:$0x10080] =	vst v63  }
0x84: {  	s26 =	spop (v2sf);
	s28 =	simm.s32 $0xC700;
	s0 =	sadd.s32 s5, s16  }
0x85: {  	[tilespmem:s28], [sflag:$0x1] =	stream.linear.gather [hbm4b:s0+s2], $0x80, $0x38;
	[tilespmem:$0x10080] =	vst v63  }
0x86: {  	s29 =	sand.u32 $0x1FFFFFF0, s26;
	s30 =	simm.s32 $0x700  }
0x87: {  	[tilespmem:s30], [sflag:$0x1] =	stream.linear.gather [hbm4b:s3+s2], $0x80, $0x38;
	[tilespmem:$0x10080] =	vst v63  }
0x88: {  	s1 =	sadd.s32 s6, s29;
	s31 =	simm.s32 $0x4780  }
0x89: {  	[tilespmem:s31], [sflag:$0x1] =	stream.linear.gather [hbm4b:s1+s2], $0x80, $0x38;
	[tilespmem:$0x10080] =	vst v63  }
0x8a: {  	s15 =	simm.s32 $0x8780;
	s16 =	sadd.s32 s4, s29  }
0x8b: {  	[tilespmem:s15], [sflag:$0x1] =	stream.linear.gather [hbm4b:s16+s2], $0x80, $0x38;
	[tilespmem:$0x10080] =	vst v63  }
0x8c: {  	s22 =	spop (v2sf);
	s23 =	simm.s32 $0xC780;
	s0 =	sadd.s32 s5, s29  }
0x8d: {  	[tilespmem:s23], [sflag:$0x1] =	stream.linear.gather [hbm4b:s0+s2], $0x80, $0x38;
	[tilespmem:$0x10080] =	vst v63  }
0x8e: {  	s24 =	sand.u32 $0x1FFFFFF0, s22;
	s25 =	simm.s32 $0x780  }
0x8f: {  	[tilespmem:s25], [sflag:$0x1] =	stream.linear.gather [hbm4b:s3+s2], $0x80, $0x38;
	[tilespmem:$0x10080] =	vst v63  }
0x90: {  	s26 =	simm.s32 $0x4800;
	s28 =	sadd.s32 s6, s24  }
0x91: {  	[tilespmem:s26], [sflag:$0x1] =	stream.linear.gather [hbm4b:s28+s2], $0x80, $0x38;
	[tilespmem:$0x10080] =	vst v63  }
0x92: {  	s29 =	simm.s32 $0x8800;
	s30 =	sadd.s32 s4, s24  }
0x93: {  	[tilespmem:s29], [sflag:$0x1] =	stream.linear.gather [hbm4b:s30+s2], $0x80, $0x38;
	[tilespmem:$0x10080] =	vst v63  }
0x94: {  	s31 =	simm.s32 $0xC800;
	s0 =	sadd.s32 s5, s24  }
0x95: {  	[tilespmem:s31], [sflag:$0x1] =	stream.linear.gather [hbm4b:s0+s2], $0x80, $0x38;
	[tilespmem:$0x10080] =	vst v63  }
0x96: {  	s20 =	simm.s32 $0x2000;
	s21 =	simm.s32 $0x10;
	s0 =	simm.s32 $0x800  }
.LBB2_2:
0x97: {  	[tilespmem:s0], [sflag:$0x1] =	stream.linear.gather [hbm4b:s3+s2], $0x80, $0x38;
	[tilespmem:$0x10080] =	vst v63  }
0x98: {  	p0 =	sne.s32 s20, $0xE000;
	s0 =	smov.u32 s20;
	s20 =	sadd.s32 $0x2000, s20;
	v0 =	vld [tilespmem:s21+$0x0]  }
0x99: {  	_ =	sdelay $0x3  }
0x9a: {  	v0 =	vshll.u32 v0, $0x4  }
0x9b: {  	(v2sf) =	vpush v0, $0x0  }
0x9c: {  	(v2sf) =	vpush v0, $0x1  }
0x9d: {  	(v2sf) =	vpush v0, $0x2;
	_ =	sdelay $0x3  }
0x9e: {  	(v2sf) =	vpush v0, $0x3;
	_ =	sdelay $0x3  }
0x9f: {  	(v2sf) =	vpush v0, $0x4;
	_ =	sdelay $0x3  }
0xa0: {  	(v2sf) =	vpush v0, $0x5  }
0xa1: {  	s23 =	spop (v2sf)  }
0xa2: {  	s22 =	sshra.s32 s0, $0x2;
	s0 =	sand.u32 $0x1FFFFFF0, s23;
	s23 =	spop (v2sf);
	(v2sf) =	vpush v0, $0x6  }
0xa3: {  	s24 =	sadd.s32 $0x4080, s22;
	s25 =	sadd.s32 s6, s0;
	s26 =	spop (v2sf)  }
0xa4: {  	[tilespmem:s24], [sflag:$0x1] =	stream.linear.gather [hbm4b:s25+s2], $0x80, $0x38;
	[tilespmem:$0x10080] =	vst v63  }
0xa5: {  	s24 =	sadd.s32 $0x8080, s22;
	s25 =	sadd.s32 s4, s0;
	s28 =	sand.u32 $0x1FFFFFF0, s26  }
0xa6: {  	[tilespmem:s24], [sflag:$0x1] =	stream.linear.gather [hbm4b:s25+s2], $0x80, $0x38;
	(v2sf) =	vpush v0, $0x7;
	[tilespmem:$0x10080] =	vst v63  }
0xa7: {  	s0 =	sadd.s32 s5, s0;
	s24 =	sadd.s32 $0xC080, s22;
	s25 =	spop (v2sf)  }
0xa8: {  	[tilespmem:s24], [sflag:$0x1] =	stream.linear.gather [hbm4b:s0+s2], $0x80, $0x38;
	[tilespmem:$0x10080] =	vst v63  }
0xa9: {  	s23 =	sand.u32 $0x1FFFFFF0, s23;
	s0 =	sadd.s32 $0x80, s22;
	s26 =	sand.u32 $0x1FFFFFF0, s25  }
0xaa: {  	[tilespmem:s0], [sflag:$0x1] =	stream.linear.gather [hbm4b:s3+s2], $0x80, $0x38;
	(v2sf) =	vpush v0, $0x8;
	[tilespmem:$0x10080] =	vst v63  }
0xab: {  	s24 =	sadd.s32 s6, s23;
	s0 =	sadd.s32 $0x4100, s22;
	s25 =	spop (v2sf)  }
0xac: {  	[tilespmem:s0], [sflag:$0x1] =	stream.linear.gather [hbm4b:s24+s2], $0x80, $0x38;
	[tilespmem:$0x10080] =	vst v63  }
0xad: {  	s0 =	sadd.s32 $0x8100, s22;
	s24 =	sadd.s32 s4, s23;
	s25 =	sand.u32 $0x1FFFFFF0, s25  }
0xae: {  	[tilespmem:s0], [sflag:$0x1] =	stream.linear.gather [hbm4b:s24+s2], $0x80, $0x38;
	(v2sf) =	vpush v0, $0x9;
	[tilespmem:$0x10080] =	vst v63  }
0xaf: {  	s23 =	sadd.s32 s5, s23;
	s0 =	sadd.s32 $0xC100, s22;
	s24 =	spop (v2sf)  }
0xb0: {  	[tilespmem:s0], [sflag:$0x1] =	stream.linear.gather [hbm4b:s23+s2], $0x80, $0x38;
	[tilespmem:$0x10080] =	vst v63  }
0xb1: {  	s0 =	sadd.s32 $0x100, s22;
	s24 =	sand.u32 $0x1FFFFFF0, s24;
	s23 =	spop (v2sf)  }
0xb2: {  	[tilespmem:s0], [sflag:$0x1] =	stream.linear.gather [hbm4b:s3+s2], $0x80, $0x38;
	(v2sf) =	vpush v0, $0xA;
	[tilespmem:$0x10080] =	vst v63  }
0xb3: {  	s29 =	sadd.s32 s6, s28;
	s0 =	sadd.s32 $0x4180, s22;
	s23 =	sand.u32 $0x1FFFFFF0, s23  }
0xb4: {  	[tilespmem:s0], [sflag:$0x1] =	stream.linear.gather [hbm4b:s29+s2], $0x80, $0x38;
	[tilespmem:$0x10080] =	vst v63  }
0xb5: {  	s0 =	sadd.s32 $0x8180, s22;
	s29 =	sadd.s32 s4, s28;
	s30 =	spop (v2sf)  }
0xb6: {  	[tilespmem:s0], [sflag:$0x1] =	stream.linear.gather [hbm4b:s29+s2], $0x80, $0x38;
	(v2sf) =	vpush v0, $0xB;
	[tilespmem:$0x10080] =	vst v63  }
0xb7: {  	s28 =	sadd.s32 s5, s28;
	s29 =	sadd.s32 $0xC180, s22;
	s0 =	sand.u32 $0x1FFFFFF0, s30  }
0xb8: {  	[tilespmem:s29], [sflag:$0x1] =	stream.linear.gather [hbm4b:s28+s2], $0x80, $0x38;
	[tilespmem:$0x10080] =	vst v63  }
0xb9: {  	s28 =	sadd.s32 $0x180, s22;
	s29 =	spop (v2sf)  }
0xba: {  	[tilespmem:s28], [sflag:$0x1] =	stream.linear.gather [hbm4b:s3+s2], $0x80, $0x38;
	(v2sf) =	vpush v0, $0xC;
	[tilespmem:$0x10080] =	vst v63  }
0xbb: {  	s30 =	sadd.s32 s6, s26;
	s28 =	sadd.s32 $0x4200, s22;
	s31 =	sand.u32 $0x1FFFFFF0, s29  }
0xbc: {  	[tilespmem:s28], [sflag:$0x1] =	stream.linear.gather [hbm4b:s30+s2], $0x80, $0x38;
	[tilespmem:$0x10080] =	vst v63  }
0xbd: {  	s29 =	sadd.s32 s4, s26;
	s28 =	sadd.s32 $0x8200, s22;
	s30 =	spop (v2sf)  }
0xbe: {  	[tilespmem:s28], [sflag:$0x1] =	stream.linear.gather [hbm4b:s29+s2], $0x80, $0x38;
	(v2sf) =	vpush v0, $0xD;
	[tilespmem:$0x10080] =	vst v63  }
0xbf: {  	s26 =	sadd.s32 s5, s26;
	s28 =	sadd.s32 $0xC200, s22;
	s30 =	sand.u32 $0x1FFFFFF0, s30  }
0xc0: {  	[tilespmem:s28], [sflag:$0x1] =	stream.linear.gather [hbm4b:s26+s2], $0x80, $0x38;
	[tilespmem:$0x10080] =	vst v63  }
0xc1: {  	s26 =	sadd.s32 $0x200, s22;
	s28 =	spop (v2sf)  }
0xc2: {  	[tilespmem:s26], [sflag:$0x1] =	stream.linear.gather [hbm4b:s3+s2], $0x80, $0x38;
	(v2sf) =	vpush v0, $0xE;
	[tilespmem:$0x10080] =	vst v63  }
0xc3: {  	s1 =	sadd.s32 s6, s25;
	s26 =	sadd.s32 $0x4280, s22;
	s29 =	sand.u32 $0x1FFFFFF0, s28  }
0xc4: {  	[tilespmem:s26], [sflag:$0x1] =	stream.linear.gather [hbm4b:s1+s2], $0x80, $0x38;
	[tilespmem:$0x10080] =	vst v63  }
0xc5: {  	s1 =	sadd.s32 $0x8280, s22;
	s26 =	sadd.s32 s4, s25;
	s28 =	spop (v2sf)  }
0xc6: {  	[tilespmem:s1], [sflag:$0x1] =	stream.linear.gather [hbm4b:s26+s2], $0x80, $0x38;
	(v2sf) =	vpush v0, $0xF;
	[tilespmem:$0x10080] =	vst v63  }
0xc7: {  	s25 =	sadd.s32 s5, s25;
	s1 =	sadd.s32 $0xC280, s22;
	s28 =	sand.u32 $0x1FFFFFF0, s28  }
0xc8: {  	[tilespmem:s1], [sflag:$0x1] =	stream.linear.gather [hbm4b:s25+s2], $0x80, $0x38;
	[tilespmem:$0x10080] =	vst v63  }
0xc9: {  	s1 =	sadd.s32 $0x280, s22;
	s25 =	spop (v2sf)  }
0xca: {  	[tilespmem:s1], [sflag:$0x1] =	stream.linear.gather [hbm4b:s3+s2], $0x80, $0x38;
	[tilespmem:$0x10080] =	vst v63  }
0xcb: {  	s15 =	sadd.s32 s6, s24;
	s1 =	sadd.s32 $0x4300, s22;
	s26 =	sand.u32 $0x1FFFFFF0, s25  }
0xcc: {  	[tilespmem:s1], [sflag:$0x1] =	stream.linear.gather [hbm4b:s15+s2], $0x80, $0x38;
	[tilespmem:$0x10080] =	vst v63  }
0xcd: {  	s1 =	sadd.s32 $0x8300, s22;
	s15 =	sadd.s32 s4, s24;
	s25 =	spop (v2sf)  }
0xce: {  	[tilespmem:s1], [sflag:$0x1] =	stream.linear.gather [hbm4b:s15+s2], $0x80, $0x38;
	[tilespmem:$0x10080] =	vst v63  }
0xcf: {  	s1 =	sadd.s32 $0xC300, s22;
	s15 =	sadd.s32 s5, s24;
	s25 =	sand.u32 $0x1FFFFFF0, s25  }
0xd0: {  	[tilespmem:s1], [sflag:$0x1] =	stream.linear.gather [hbm4b:s15+s2], $0x80, $0x38;
	[tilespmem:$0x10080] =	vst v63  }
0xd1: {  	s1 =	sadd.s32 $0x300, s22;
	s15 =	spop (v2sf)  }
0xd2: {  	[tilespmem:s1], [sflag:$0x1] =	stream.linear.gather [hbm4b:s3+s2], $0x80, $0x38;
	[tilespmem:$0x10080] =	vst v63  }
0xd3: {  	s16 =	sadd.s32 s6, s23;
	s1 =	sadd.s32 $0x4380, s22;
	s24 =	sand.u32 $0x1FFFFFF0, s15  }
0xd4: {  	[tilespmem:s1], [sflag:$0x1] =	stream.linear.gather [hbm4b:s16+s2], $0x80, $0x38;
	[tilespmem:$0x10080] =	vst v63  }
0xd5: {  	s15 =	sadd.s32 s4, s23;
	s1 =	sadd.s32 $0x8380, s22;
	s16 =	spop (v2sf)  }
0xd6: {  	[tilespmem:s1], [sflag:$0x1] =	stream.linear.gather [hbm4b:s15+s2], $0x80, $0x38;
	[tilespmem:$0x10080] =	vst v63  }
0xd7: {  	s1 =	sadd.s32 $0xC380, s22;
	s15 =	sadd.s32 s5, s23;
	s23 =	sand.u32 $0x1FFFFFF0, s16  }
0xd8: {  	[tilespmem:s1], [sflag:$0x1] =	stream.linear.gather [hbm4b:s15+s2], $0x80, $0x38;
	[tilespmem:$0x10080] =	vst v63  }
0xd9: {  	s1 =	sadd.s32 $0x380, s22  }
0xda: {  	[tilespmem:s1], [sflag:$0x1] =	stream.linear.gather [hbm4b:s3+s2], $0x80, $0x38;
	[tilespmem:$0x10080] =	vst v63  }
0xdb: {  	s15 =	sadd.s32 s6, s0;
	s1 =	sadd.s32 $0x4400, s22  }
0xdc: {  	[tilespmem:s1], [sflag:$0x1] =	stream.linear.gather [hbm4b:s15+s2], $0x80, $0x38;
	[tilespmem:$0x10080] =	vst v63  }
0xdd: {  	s1 =	sadd.s32 $0x8400, s22;
	s15 =	sadd.s32 s4, s0  }
0xde: {  	[tilespmem:s1], [sflag:$0x1] =	stream.linear.gather [hbm4b:s15+s2], $0x80, $0x38;
	[tilespmem:$0x10080] =	vst v63  }
0xdf: {  	s0 =	sadd.s32 s5, s0;
	s1 =	sadd.s32 $0xC400, s22  }
0xe0: {  	[tilespmem:s1], [sflag:$0x1] =	stream.linear.gather [hbm4b:s0+s2], $0x80, $0x38;
	[tilespmem:$0x10080] =	vst v63  }
0xe1: {  	s0 =	sadd.s32 $0x400, s22  }
0xe2: {  	[tilespmem:s0], [sflag:$0x1] =	stream.linear.gather [hbm4b:s3+s2], $0x80, $0x38;
	[tilespmem:$0x10080] =	vst v63  }
0xe3: {  	s1 =	sadd.s32 s6, s31;
	s0 =	sadd.s32 $0x4480, s22  }
0xe4: {  	[tilespmem:s0], [sflag:$0x1] =	stream.linear.gather [hbm4b:s1+s2], $0x80, $0x38;
	[tilespmem:$0x10080] =	vst v63  }
0xe5: {  	s0 =	sadd.s32 $0x8480, s22;
	s1 =	sadd.s32 s4, s31  }
0xe6: {  	[tilespmem:s0], [sflag:$0x1] =	stream.linear.gather [hbm4b:s1+s2], $0x80, $0x38;
	[tilespmem:$0x10080] =	vst v63  }
0xe7: {  	s0 =	sadd.s32 $0xC480, s22;
	s1 =	sadd.s32 s5, s31  }
0xe8: {  	[tilespmem:s0], [sflag:$0x1] =	stream.linear.gather [hbm4b:s1+s2], $0x80, $0x38;
	[tilespmem:$0x10080] =	vst v63  }
0xe9: {  	s0 =	sadd.s32 $0x480, s22  }
0xea: {  	[tilespmem:s0], [sflag:$0x1] =	stream.linear.gather [hbm4b:s3+s2], $0x80, $0x38;
	[tilespmem:$0x10080] =	vst v63  }
0xeb: {  	s1 =	sadd.s32 s6, s30;
	s0 =	sadd.s32 $0x4500, s22  }
0xec: {  	[tilespmem:s0], [sflag:$0x1] =	stream.linear.gather [hbm4b:s1+s2], $0x80, $0x38;
	[tilespmem:$0x10080] =	vst v63  }
0xed: {  	s0 =	sadd.s32 $0x8500, s22;
	s1 =	sadd.s32 s4, s30  }
0xee: {  	[tilespmem:s0], [sflag:$0x1] =	stream.linear.gather [hbm4b:s1+s2], $0x80, $0x38;
	[tilespmem:$0x10080] =	vst v63  }
0xef: {  	s0 =	sadd.s32 $0xC500, s22;
	s1 =	sadd.s32 s5, s30  }
0xf0: {  	[tilespmem:s0], [sflag:$0x1] =	stream.linear.gather [hbm4b:s1+s2], $0x80, $0x38;
	[tilespmem:$0x10080] =	vst v63  }
0xf1: {  	s0 =	sadd.s32 $0x500, s22  }
0xf2: {  	[tilespmem:s0], [sflag:$0x1] =	stream.linear.gather [hbm4b:s3+s2], $0x80, $0x38;
	[tilespmem:$0x10080] =	vst v63  }
0xf3: {  	s1 =	sadd.s32 s6, s29;
	s0 =	sadd.s32 $0x4580, s22  }
0xf4: {  	[tilespmem:s0], [sflag:$0x1] =	stream.linear.gather [hbm4b:s1+s2], $0x80, $0x38;
	[tilespmem:$0x10080] =	vst v63  }
0xf5: {  	s0 =	sadd.s32 $0x8580, s22;
	s1 =	sadd.s32 s4, s29  }
0xf6: {  	[tilespmem:s0], [sflag:$0x1] =	stream.linear.gather [hbm4b:s1+s2], $0x80, $0x38;
	[tilespmem:$0x10080] =	vst v63  }
0xf7: {  	s0 =	sadd.s32 $0xC580, s22;
	s1 =	sadd.s32 s5, s29  }
0xf8: {  	[tilespmem:s0], [sflag:$0x1] =	stream.linear.gather [hbm4b:s1+s2], $0x80, $0x38;
	[tilespmem:$0x10080] =	vst v63  }
0xf9: {  	s0 =	sadd.s32 $0x580, s22  }
0xfa: {  	[tilespmem:s0], [sflag:$0x1] =	stream.linear.gather [hbm4b:s3+s2], $0x80, $0x38;
	[tilespmem:$0x10080] =	vst v63  }
0xfb: {  	s1 =	sadd.s32 s6, s28;
	s0 =	sadd.s32 $0x4600, s22  }
0xfc: {  	[tilespmem:s0], [sflag:$0x1] =	stream.linear.gather [hbm4b:s1+s2], $0x80, $0x38;
	[tilespmem:$0x10080] =	vst v63  }
0xfd: {  	s0 =	sadd.s32 $0x8600, s22;
	s1 =	sadd.s32 s4, s28  }
0xfe: {  	[tilespmem:s0], [sflag:$0x1] =	stream.linear.gather [hbm4b:s1+s2], $0x80, $0x38;
	[tilespmem:$0x10080] =	vst v63  }
0xff: {  	s0 =	sadd.s32 $0xC600, s22;
	s1 =	sadd.s32 s5, s28  }
0x100: {  	[tilespmem:s0], [sflag:$0x1] =	stream.linear.gather [hbm4b:s1+s2], $0x80, $0x38;
	[tilespmem:$0x10080] =	vst v63  }
0x101: {  	s0 =	sadd.s32 $0x600, s22  }
0x102: {  	[tilespmem:s0], [sflag:$0x1] =	stream.linear.gather [hbm4b:s3+s2], $0x80, $0x38;
	[tilespmem:$0x10080] =	vst v63  }
0x103: {  	s1 =	sadd.s32 s6, s26;
	s0 =	sadd.s32 $0x4680, s22  }
0x104: {  	[tilespmem:s0], [sflag:$0x1] =	stream.linear.gather [hbm4b:s1+s2], $0x80, $0x38;
	[tilespmem:$0x10080] =	vst v63  }
0x105: {  	s0 =	sadd.s32 $0x8680, s22;
	s1 =	sadd.s32 s4, s26  }
0x106: {  	[tilespmem:s0], [sflag:$0x1] =	stream.linear.gather [hbm4b:s1+s2], $0x80, $0x38;
	[tilespmem:$0x10080] =	vst v63  }
0x107: {  	s0 =	sadd.s32 $0xC680, s22;
	s1 =	sadd.s32 s5, s26  }
0x108: {  	[tilespmem:s0], [sflag:$0x1] =	stream.linear.gather [hbm4b:s1+s2], $0x80, $0x38;
	[tilespmem:$0x10080] =	vst v63  }
0x109: {  	s0 =	sadd.s32 $0x680, s22  }
0x10a: {  	[tilespmem:s0], [sflag:$0x1] =	stream.linear.gather [hbm4b:s3+s2], $0x80, $0x38;
	[tilespmem:$0x10080] =	vst v63  }
0x10b: {  	s1 =	sadd.s32 s6, s25;
	s0 =	sadd.s32 $0x4700, s22  }
0x10c: {  	[tilespmem:s0], [sflag:$0x1] =	stream.linear.gather [hbm4b:s1+s2], $0x80, $0x38;
	[tilespmem:$0x10080] =	vst v63  }
0x10d: {  	s0 =	sadd.s32 $0x8700, s22;
	s1 =	sadd.s32 s4, s25  }
0x10e: {  	[tilespmem:s0], [sflag:$0x1] =	stream.linear.gather [hbm4b:s1+s2], $0x80, $0x38;
	[tilespmem:$0x10080] =	vst v63  }
0x10f: {  	s0 =	sadd.s32 $0xC700, s22;
	s1 =	sadd.s32 s5, s25  }
0x110: {  	[tilespmem:s0], [sflag:$0x1] =	stream.linear.gather [hbm4b:s1+s2], $0x80, $0x38;
	[tilespmem:$0x10080] =	vst v63  }
0x111: {  	s0 =	sadd.s32 $0x700, s22  }
0x112: {  	[tilespmem:s0], [sflag:$0x1] =	stream.linear.gather [hbm4b:s3+s2], $0x80, $0x38;
	[tilespmem:$0x10080] =	vst v63  }
0x113: {  	s1 =	sadd.s32 s6, s24;
	s0 =	sadd.s32 $0x4780, s22  }
0x114: {  	[tilespmem:s0], [sflag:$0x1] =	stream.linear.gather [hbm4b:s1+s2], $0x80, $0x38;
	[tilespmem:$0x10080] =	vst v63  }
0x115: {  	s0 =	sadd.s32 $0x8780, s22;
	s1 =	sadd.s32 s4, s24  }
0x116: {  	[tilespmem:s0], [sflag:$0x1] =	stream.linear.gather [hbm4b:s1+s2], $0x80, $0x38;
	[tilespmem:$0x10080] =	vst v63  }
0x117: {  	s0 =	sadd.s32 $0xC780, s22;
	s1 =	sadd.s32 s5, s24  }
0x118: {  	[tilespmem:s0], [sflag:$0x1] =	stream.linear.gather [hbm4b:s1+s2], $0x80, $0x38;
	[tilespmem:$0x10080] =	vst v63  }
0x119: {  	s0 =	sadd.s32 $0x780, s22  }
0x11a: {  	[tilespmem:s0], [sflag:$0x1] =	stream.linear.gather [hbm4b:s3+s2], $0x80, $0x38;
	[tilespmem:$0x10080] =	vst v63  }
0x11b: {  	s1 =	sadd.s32 s6, s23;
	s0 =	sadd.s32 $0x4800, s22  }
0x11c: {  	[tilespmem:s0], [sflag:$0x1] =	stream.linear.gather [hbm4b:s1+s2], $0x80, $0x38;
	[tilespmem:$0x10080] =	vst v63  }
.Ltmp0:
0x11d: {  	s0 =	sadd.s32 $0x8800, s22;
	s1 =	sadd.s32 s4, s23;
	(pc) =	sbr.rel @p0 .LBB2_2-.Ltmp0, $4  }
0x11e: {  	[tilespmem:s0], [sflag:$0x1] =	stream.linear.gather [hbm4b:s1+s2], $0x80, $0x38;
	[tilespmem:$0x10080] =	vst v63  }
0x11f: {  	s0 =	sadd.s32 $0xC800, s22;
	s1 =	sadd.s32 s5, s23  }
0x120: {  	[tilespmem:s0], [sflag:$0x1] =	stream.linear.gather [hbm4b:s1+s2], $0x80, $0x38;
	[tilespmem:$0x10080] =	vst v63  }
0x121: {  	s21 =	sadd.s32 $0x10, s21;
	s0 =	sadd.s32 $0x800, s22  }
0x122: {  	[tilespmem:s0], [sflag:$0x1] =	stream.linear.gather [hbm4b:s3+s2], $0x80, $0x38;
	[tilespmem:$0x10080] =	vst v63  }
0x123: {  	_ =	swait.ge [sflag:s14], $0x4000  }
0x124: {  	[sflag:s14] =	ssyncset.done $0x0  }
0x125: {  	[sflag:s14] =	ssyncadd.s32 $0xFFFFC000  }
0x126: {  	_ =	swait.ge [sflag:s14], $0x4000  }
0x127: {  	[sflag:s14] =	ssyncset.done $0x0  }
0x128: {  	[sflag:s14] =	ssyncadd.s32 $0xFFFFC000  }
0x129: {  	_ =	swait.ge [sflag:s14], $0x4000  }
0x12a: {  	[sflag:s14] =	ssyncset.done $0x0  }
0x12b: {  	[sflag:s14] =	ssyncadd.s32 $0xFFFFC000  }
0x12c: {  	_ =	swait.ge [sflag:s14], $0x4000  }
0x12d: {  	[sflag:s14] =	ssyncset.done $0x0  }
0x12e: {  	s30 =	simm.s32 $0x4080;
	[sflag:s14] =	ssyncadd.s32 $0xFFFFC000  }
0x12f: {  	[hbm4b:s7+s2] =	stream.linear.scatter [tilespmem:s30], [sflag:$0x2], $0x4000, $0x38;
	[tilespmem:$0x10080] =	vst v63  }
0x130: {  	_ =	swait.ge [sflag:s13], $0x4000  }
0x131: {  	[sflag:s13] =	ssyncset.done $0x0  }
0x132: {  	s31 =	simm.s32 $0x8080;
	[sflag:s13] =	ssyncadd.s32 $0xFFFFC000  }
0x133: {  	[hbm4b:s9+s2] =	stream.linear.scatter [tilespmem:s31], [sflag:$0x2], $0x4000, $0x38;
	[tilespmem:$0x10080] =	vst v63  }
0x134: {  	_ =	swait.ge [sflag:s13], $0x4000  }
0x135: {  	[sflag:s13] =	ssyncset.done $0x0  }
0x136: {  	[sflag:s13] =	ssyncadd.s32 $0xFFFFC000  }
0x137: {  	[hbm4b:s10+s2] =	stream.linear.scatter [tilespmem:s17], [sflag:$0x2], $0x4000, $0x38;
	[tilespmem:$0x10080] =	vst v63  }
0x138: {  	s19 =	sadd.s32 $0x1, s19;
	_ =	swait.ge [sflag:s13], $0x4000  }
0x139: {  	p0 =	sne.s32 s19, s12;
	[sflag:s13] =	ssyncset.done $0x0  }
.Ltmp1:
0x13a: {  	[sflag:s13] =	ssyncadd.s32 $0xFFFFC000;
	(pc) =	sbr.rel @p0 .LBB2_1-.Ltmp1, $4  }
0x13b: {  	[hbm4b:s11+s2] =	stream.linear.scatter [tilespmem:s18], [sflag:$0x2], $0x4000, $0x38;
	[tilespmem:$0x10080] =	vst v63  }
0x13c: {  	_ =	swait.ge [sflag:s13], $0x4000  }
0x13d: {  	[sflag:s13] =	ssyncset.done $0x0  }
0x13e: {  	[sflag:s13] =	ssyncadd.s32 $0xFFFFC000  }
0x13f: {  	_ =	sfence.sel $0x180000  }
0x140: {  	[bflag:$0x0] =	sbarrier.arrive $0xFFFF  }
0x141: {  	_ =	strace $0x90000047  }
0x142: {  	s0 =	stileid.u32;
	[bflag:$0x2] =	sbarrier.arrive $0xFFFF  }
0x143: {  	p0 =	sne.s32 s0, $0x0;
	s0 =	rddreg [dreg:$0x2]  }
0x144: {  	s0 =	sadd.s32 @!p0 $0x100000, s0  }
0x145: {  	[sflag:s0] =	ssyncadd.tile.s32 @!p0 $0x1;
	_ =	shalt  }
.Lfunc_end2:
_tile_overlayer_lowered:
.L_overlay_start_2:
0x146: {  	(tag) =	ssettag $0x2  }
0x147: {  	s0 =	rddreg [dreg:$0x0];
	s2 =	stileid.u32  }
0x148: {  	s1 =	rddreg [dreg:$0x1];
	p0 =	sne.s32 s2, $0x0  }
0x149: {  	s3 =	rddreg [dreg:$0x2];
	[bflag:$0x3] =	sbarrier.arrive $0xFFFF;
	s2 =	simm.s32 @!p0 $0x1C02  }
0x14a: {  	[timem:s3], [sflag:s2] =	dma.local @!p0 [hbm:s0], s1  }
0x14b: {  	s0 =	simm.s32 @!p0 $0x2  }
0x14c: {  	_ =	swait.ge @!p0 [sflag:s0], s1  }
0x14d: {  	s1 =	ssub.s32 @!p0 $0x0, s1;
	[sflag:s0] =	ssyncset.done @!p0 $0x0  }
0x14e: {  	[sflag:s0] =	ssyncadd.s32 @!p0 s1  }
0x14f: {  	[bflag:$0x3] =	sbarrier.arrive $0xFFFF  }
0x150: {  	_ =	shalt  }

</sc_bundles>
